<compile_context>
chip_gen: v7x
topology: tpu7x:2x2x1
jax: 0.10.2.dev20260603
libtpu: 0.0.44.dev20260713+nightly
codegen_flags: <defaults>
</compile_context>

<pallas_src>
import functools

import jax
import jax.numpy as jnp
from jax import lax
from jax.experimental import pallas as pl
from jax.experimental.pallas import tpu as pltpu
from jax.experimental.pallas import tpu_sc as plsc

_NFIELD = 26
_FIELD_SIZE = 100000
_BATCH = 4096
_D = 64
_BF = _BATCH * _NFIELD
_NW = 32
_BPW = _BF // _NW
_CHUNK = 128
_NCHUNK = _BPW // _CHUNK
_NBUF = 4
_L = 16


def _body(x_hbm, table_hbm, out_hbm, idx_v, rows_v, *sems):
    gsems = sems[:_NBUF]
    wsems = sems[_NBUF:]
    wid = lax.axis_index("s") * 2 + lax.axis_index("c")
    base = wid * _BPW

    pltpu.sync_copy(x_hbm.at[pl.ds(base, _BPW)], idx_v)

    def _add_offsets(i, carry):
        pos = (base + i * _L) + lax.iota(jnp.int32, _L)
        off = (pos % _NFIELD) * _FIELD_SIZE
        idx_v[pl.ds(i * _L, _L)] = idx_v[pl.ds(i * _L, _L)] + off
        return carry

    lax.fori_loop(0, _BPW // _L, _add_offsets, 0)
    plsc.subcore_barrier()

    def _gather(c, b):
        return pltpu.async_copy(
            table_hbm.at[idx_v.at[pl.ds(c * _CHUNK, _CHUNK)]],
            rows_v.at[b],
            gsems[b],
        )

    def _write(c, b):
        return pltpu.async_copy(
            rows_v.at[b],
            out_hbm.at[pl.ds(base + c * _CHUNK, _CHUNK)],
            wsems[b],
        )

    g = {}
    w = {}
    for c in range(min(_NBUF, _NCHUNK)):
        g[c] = _gather(c, c)
    for c in range(_NCHUNK):
        b = c % _NBUF
        g[c].wait()
        w[c] = _write(c, b)
        n = c + _NBUF
        if n < _NCHUNK:
            w[c].wait()
            g[n] = _gather(n, b)
    for c in range(max(0, _NCHUNK - _NBUF), _NCHUNK):
        w[c].wait()


@functools.cache
def _sc_gather():
    mesh = plsc.VectorSubcoreMesh(core_axis_name="c", subcore_axis_name="s")
    return functools.partial(
        pl.kernel,
        out_type=jax.ShapeDtypeStruct((_BF, _D), jnp.float32),
        scratch_types=[
            pltpu.VMEM((_BPW,), jnp.int32),
            pltpu.VMEM((_NBUF, _CHUNK, _D), jnp.float32),
        ]
        + [pltpu.SemaphoreType.DMA] * (2 * _NBUF),
        mesh=mesh,
        compiler_params=pltpu.CompilerParams(use_tc_tiling_on_sc=False),
    )(_body)


@jax.jit
def kernel(x, table):
    xf = x.reshape(-1).astype(jnp.int32)
    out = _sc_gather()(xf, table)
    return out.reshape(_BATCH, _NFIELD, _D)

# --- scband reference (transcript-rebuilt; emitter-appended) ---
"""Pipeline reference for scband-features-embedding-12799002542640 (READ-ONLY COPY).

The authoritative reference and input builder live on the scoring server;
editing this copy changes nothing except your own understanding.
"""

import jax, jax.numpy as jnp
import numpy as np

FIELD_DIMS = [100000] * 26
EMBED_DIM = 64
BATCH = 4096


def setup_inputs(seed: int = 0) -> dict:
    key = jax.random.key(seed)
    k_idx, k_tab = jax.random.split(key)
    x = jax.random.randint(k_idx, (BATCH, len(FIELD_DIMS)), 0, 100000, dtype=jnp.int64 if jax.config.jax_enable_x64 else jnp.int32)
    total = sum(FIELD_DIMS)
    # xavier_uniform for [total, EMBED_DIM]
    bound = float(np.sqrt(6.0 / (total + EMBED_DIM)))
    table = jax.random.uniform(k_tab, (total, EMBED_DIM), dtype=jnp.float32, minval=-bound, maxval=bound)
    return {"x": x, "table": table}


def reference(x, table):
    offsets = jnp.asarray([0, *np.cumsum(FIELD_DIMS)[:-1]], dtype=x.dtype)
    idx = x + offsets[None, :]
    return jnp.take(table, idx, axis=0)

if __name__ == "__main__":
    import jax
    _d = setup_inputs()
    print(jax.jit(kernel)(*tuple(_d.values())))

</pallas_src>

<mosaic_0001>
#map = affine_map<(d0, d1) -> (0)>
#map1 = affine_map<(d0, d1) -> (0, 0)>
module attributes {stable_mosaic.version = 14 : i64} {
  func.func @_body(%arg0: i32, %arg1: i32, %arg2: memref<106496xi32, #tpu.memory_space<hbm>>, %arg3: memref<2600000x64xf32, #tpu.memory_space<hbm>>, %arg4: memref<106496x64xf32, #tpu.memory_space<hbm>>, %arg5: memref<3328xi32, #tpu.memory_space<vmem>>, %arg6: memref<4x128x64xf32, #tpu.memory_space<vmem>>, %arg7: memref<!tpu.dma_semaphore, #tpu.memory_space<semaphore_mem>>, %arg8: memref<!tpu.dma_semaphore, #tpu.memory_space<semaphore_mem>>, %arg9: memref<!tpu.dma_semaphore, #tpu.memory_space<semaphore_mem>>, %arg10: memref<!tpu.dma_semaphore, #tpu.memory_space<semaphore_mem>>, %arg11: memref<!tpu.dma_semaphore, #tpu.memory_space<semaphore_mem>>, %arg12: memref<!tpu.dma_semaphore, #tpu.memory_space<semaphore_mem>>, %arg13: memref<!tpu.dma_semaphore, #tpu.memory_space<semaphore_mem>>, %arg14: memref<!tpu.dma_semaphore, #tpu.memory_space<semaphore_mem>>) attributes {dimension_semantics = [#tpu.dimension_semantics<core_parallel>, #tpu.dimension_semantics<subcore_parallel>], iteration_bounds = array<i64: 2, 16>, scalar_prefetch = 0 : i64, scratch_operands = 10 : i64, tpu.core_type = #tpu.core_type<sc_vector_subcore>, window_params = [{transform_indices = #map}, {transform_indices = #map1}, {transform_indices = #map1}]} {
    %mul3A = arith.constant 2 : i32
    %mul3A_0 = arith.muli %arg1, %mul3A : i32
    %add3A = arith.addi %mul3A_0, %arg0 : i32
    %mul3A_1 = arith.constant 3328 : i32
    %mul3A_2 = arith.muli %add3A, %mul3A_1 : i32
    "tpu.region"() ({
      %run_scoped3A = tpu.sem_alloc : memref<!tpu.dma_semaphore, #tpu.memory_space<semaphore_mem>>
      %dma_start3A_1254 = tpu.memref_slice %arg2[%mul3A_2] : memref<106496xi32, #tpu.memory_space<hbm>> -> memref<3328xi32, #tpu.memory_space<hbm>>
      %dma_start3A_1255 = tpu.memref_slice %arg2[%mul3A_2] : memref<106496xi32, #tpu.memory_space<hbm>> -> memref<3328xi32, #tpu.memory_space<hbm>>
      tpu.enqueue_dma source(%dma_start3A_1255 : memref<3328xi32, #tpu.memory_space<hbm>>) target(%arg5 : memref<3328xi32, #tpu.memory_space<vmem>>) target_semaphore(%run_scoped3A : memref<!tpu.dma_semaphore, #tpu.memory_space<semaphore_mem>>)
      %dma_wait3A_1256 = tpu.memref_slice %arg2[%mul3A_2] : memref<106496xi32, #tpu.memory_space<hbm>> -> memref<3328xi32, #tpu.memory_space<hbm>>
      %dma_wait3A_1257 = tpu.memref_slice %arg2[%mul3A_2] : memref<106496xi32, #tpu.memory_space<hbm>> -> memref<3328xi32, #tpu.memory_space<hbm>>
      tpu.wait_dma2 semaphore(%run_scoped3A : memref<!tpu.dma_semaphore, #tpu.memory_space<semaphore_mem>>) src(%dma_wait3A_1257 : memref<3328xi32, #tpu.memory_space<hbm>>) dst(%arg5 : memref<3328xi32, #tpu.memory_space<vmem>>)
      tpu.yield
    }) : () -> ()
    %scan3A = arith.constant 0 : i32
    %scan3A_3 = arith.constant 0 : i32
    %scan3A_4 = arith.constant 208 : i32
    %scan3A_5 = arith.addi %scan3A_3, %scan3A_4 : i32
    %scan3A_6 = arith.constant 1 : i32
    scf.for %scan3A_1254 = %scan3A_3 to %scan3A_5 step %scan3A_6  : i32 {
      %mul3A_1255 = arith.constant 16 : i32
      %mul3A_1256 = arith.muli %scan3A_1254, %mul3A_1255 : i32
      %add3A_1257 = arith.addi %mul3A_2, %mul3A_1256 : i32
      %iota3A = tpu.iota {dimensions = array<i32: 0>} : vector<16xi32>
      %add3A_1258 = vector.broadcast %add3A_1257 : i32 to vector<16xi32>
      %add3A_1259 = arith.addi %add3A_1258, %iota3A : vector<16xi32>
      %jit3A = arith.constant 26 : i32
      %eq3A = arith.constant 0 : i32
      %eq3A_1260 = arith.cmpi eq, %jit3A, %eq3A : i32
      %jit3A_1261 = arith.constant 1 : i32
      %select_n3A = arith.select %eq3A_1260, %jit3A_1261, %jit3A : i32
      %rem3A = vector.broadcast %select_n3A : i32 to vector<16xi32>
      %rem3A_1262 = arith.remsi %add3A_1259, %rem3A : vector<16xi32>
      %ne3A = arith.constant 0 : i32
      %ne3A_1263 = vector.broadcast %ne3A : i32 to vector<16xi32>
      %ne3A_1264 = arith.cmpi ne, %rem3A_1262, %ne3A_1263 : vector<16xi32>
      %lt3A = arith.constant 0 : i32
      %lt3A_1265 = vector.broadcast %lt3A : i32 to vector<16xi32>
      %lt3A_1266 = arith.cmpi slt, %rem3A_1262, %lt3A_1265 : vector<16xi32>
      %lt3A_1267 = arith.constant 0 : i32
      %lt3A_1268 = arith.cmpi slt, %select_n3A, %lt3A_1267 : i32
      %ne3A_1269 = vector.broadcast %lt3A_1268 : i1 to vector<16xi1>
      %ne3A_1270 = vector.broadcast %ne3A_1269 : vector<16xi1> to vector<16xi1>
      %ne3A_1271 = arith.xori %lt3A_1266, %ne3A_1270 : vector<16xi1>
      %and3A = arith.andi %ne3A_1271, %ne3A_1264 : vector<16xi1>
      %add3A_1272 = vector.broadcast %select_n3A : i32 to vector<16xi32>
      %add3A_1273 = arith.addi %rem3A_1262, %add3A_1272 : vector<16xi32>
      %select_n3A_1274 = arith.select %and3A, %add3A_1273, %rem3A_1262 : vector<16xi1>, vector<16xi32>
      %mul3A_1275 = arith.constant 100000 : i32
      %mul3A_1276 = vector.broadcast %mul3A_1275 : i32 to vector<16xi32>
      %mul3A_1277 = arith.muli %select_n3A_1274, %mul3A_1276 : vector<16xi32>
      %mul3A_1278 = arith.constant 16 : i32
      %mul3A_1279 = arith.muli %scan3A_1254, %mul3A_1278 : i32
      %get3A = arith.index_cast %mul3A_1279 : i32 to index
      %get3A_1280 = tpu.vector_load %arg5[%get3A] {strides = array<i32>} : memref<3328xi32, #tpu.memory_space<vmem>>, vector<16xi32>,
      %get3A_1281 = vector.shape_cast %get3A_1280 : vector<16xi32> to vector<16xi32>
      %add3A_1282 = arith.addi %get3A_1281, %mul3A_1277 : vector<16xi32>
      %mul3A_1283 = arith.constant 16 : i32
      %mul3A_1284 = arith.muli %scan3A_1254, %mul3A_1283 : i32
      %swap3A = arith.index_cast %mul3A_1284 : i32 to index
      %swap3A_1285 = tpu.vector_load %arg5[%swap3A] {strides = array<i32>} : memref<3328xi32, #tpu.memory_space<vmem>>, vector<16xi32>,
      %swap3A_1286 = vector.shape_cast %swap3A_1285 : vector<16xi32> to vector<16xi32>
      %swap3A_1287 = vector.shape_cast %add3A_1282 : vector<16xi32> to vector<16xi32>
      tpu.vector_store %arg5[%swap3A], %swap3A_1287 {strides = array<i32>} : memref<3328xi32, #tpu.memory_space<vmem>>, vector<16xi32>,
    }
    %scan3A_7 = arith.constant 208 : i32
    %barrier3A = arith.constant 0 : index
    tpu.barrier barrier_id(%barrier3A)
    %dma_start3A = arith.constant 0 : i32
    %dma_start3A_8 = arith.constant 0 : i32
    %dma_start3A_9 = arith.constant 0 : i32
    %dma_start3A_10 = tpu.memref_slice %arg6[%dma_start3A, %dma_start3A_8, %dma_start3A_9] : memref<4x128x64xf32, #tpu.memory_space<vmem>> -> memref<1x128x64xf32, #tpu.memory_space<vmem>>
    %dma_start3A_11 = tpu.memref_squeeze %dma_start3A_10 : memref<1x128x64xf32, #tpu.memory_space<vmem>> -> memref<128x64xf32, #tpu.memory_space<vmem>>
    %dma_start3A_12 = arith.constant 0 : i32
    %dma_start3A_13 = tpu.memref_slice %arg5[%dma_start3A_12] : memref<3328xi32, #tpu.memory_space<vmem>> -> memref<128xi32, #tpu.memory_space<vmem>>
    %dma_start3A_14 = arith.constant 0 : i32
    %dma_start3A_15 = arith.constant 0 : i32
    %dma_start3A_16 = tpu.memref_slice %arg3[%dma_start3A_14, %dma_start3A_15] : memref<2600000x64xf32, #tpu.memory_space<hbm>> -> memref<2600000x64xf32, #tpu.memory_space<hbm>>
    tpu.enqueue_indirect_dma source(%dma_start3A_16 : memref<2600000x64xf32, #tpu.memory_space<hbm>>) target(%dma_start3A_11 : memref<128x64xf32, #tpu.memory_space<vmem>>) offsets(%dma_start3A_13 : memref<128xi32, #tpu.memory_space<vmem>>) semaphore(%arg7 : memref<!tpu.dma_semaphore, #tpu.memory_space<semaphore_mem>>)
    %dma_start3A_17 = arith.constant 1 : i32
    %dma_start3A_18 = arith.constant 0 : i32
    %dma_start3A_19 = arith.constant 0 : i32
    %dma_start3A_20 = tpu.memref_slice %arg6[%dma_start3A_17, %dma_start3A_18, %dma_start3A_19] : memref<4x128x64xf32, #tpu.memory_space<vmem>> -> memref<1x128x64xf32, #tpu.memory_space<vmem>>
    %dma_start3A_21 = tpu.memref_squeeze %dma_start3A_20 : memref<1x128x64xf32, #tpu.memory_space<vmem>> -> memref<128x64xf32, #tpu.memory_space<vmem>>
    %dma_start3A_22 = arith.constant 128 : i32
    %dma_start3A_23 = tpu.memref_slice %arg5[%dma_start3A_22] : memref<3328xi32, #tpu.memory_space<vmem>> -> memref<128xi32, #tpu.memory_space<vmem>>
    %dma_start3A_24 = arith.constant 0 : i32
    %dma_start3A_25 = arith.constant 0 : i32
    %dma_start3A_26 = tpu.memref_slice %arg3[%dma_start3A_24, %dma_start3A_25] : memref<2600000x64xf32, #tpu.memory_space<hbm>> -> memref<2600000x64xf32, #tpu.memory_space<hbm>>
    tpu.enqueue_indirect_dma source(%dma_start3A_26 : memref<2600000x64xf32, #tpu.memory_space<hbm>>) target(%dma_start3A_21 : memref<128x64xf32, #tpu.memory_space<vmem>>) offsets(%dma_start3A_23 : memref<128xi32, #tpu.memory_space<vmem>>) semaphore(%arg8 : memref<!tpu.dma_semaphore, #tpu.memory_space<semaphore_mem>>)
    %dma_start3A_27 = arith.constant 2 : i32
    %dma_start3A_28 = arith.constant 0 : i32
    %dma_start3A_29 = arith.constant 0 : i32
    %dma_start3A_30 = tpu.memref_slice %arg6[%dma_start3A_27, %dma_start3A_28, %dma_start3A_29] : memref<4x128x64xf32, #tpu.memory_space<vmem>> -> memref<1x128x64xf32, #tpu.memory_space<vmem>>
    %dma_start3A_31 = tpu.memref_squeeze %dma_start3A_30 : memref<1x128x64xf32, #tpu.memory_space<vmem>> -> memref<128x64xf32, #tpu.memory_space<vmem>>
    %dma_start3A_32 = arith.constant 256 : i32
    %dma_start3A_33 = tpu.memref_slice %arg5[%dma_start3A_32] : memref<3328xi32, #tpu.memory_space<vmem>> -> memref<128xi32, #tpu.memory_space<vmem>>
    %dma_start3A_34 = arith.constant 0 : i32
    %dma_start3A_35 = arith.constant 0 : i32
    %dma_start3A_36 = tpu.memref_slice %arg3[%dma_start3A_34, %dma_start3A_35] : memref<2600000x64xf32, #tpu.memory_space<hbm>> -> memref<2600000x64xf32, #tpu.memory_space<hbm>>
    tpu.enqueue_indirect_dma source(%dma_start3A_36 : memref<2600000x64xf32, #tpu.memory_space<hbm>>) target(%dma_start3A_31 : memref<128x64xf32, #tpu.memory_space<vmem>>) offsets(%dma_start3A_33 : memref<128xi32, #tpu.memory_space<vmem>>) semaphore(%arg9 : memref<!tpu.dma_semaphore, #tpu.memory_space<semaphore_mem>>)
    %dma_start3A_37 = arith.constant 3 : i32
    %dma_start3A_38 = arith.constant 0 : i32
    %dma_start3A_39 = arith.constant 0 : i32
    %dma_start3A_40 = tpu.memref_slice %arg6[%dma_start3A_37, %dma_start3A_38, %dma_start3A_39] : memref<4x128x64xf32, #tpu.memory_space<vmem>> -> memref<1x128x64xf32, #tpu.memory_space<vmem>>
    %dma_start3A_41 = tpu.memref_squeeze %dma_start3A_40 : memref<1x128x64xf32, #tpu.memory_space<vmem>> -> memref<128x64xf32, #tpu.memory_space<vmem>>
    %dma_start3A_42 = arith.constant 384 : i32
    %dma_start3A_43 = tpu.memref_slice %arg5[%dma_start3A_42] : memref<3328xi32, #tpu.memory_space<vmem>> -> memref<128xi32, #tpu.memory_space<vmem>>
    %dma_start3A_44 = arith.constant 0 : i32
    %dma_start3A_45 = arith.constant 0 : i32
    %dma_start3A_46 = tpu.memref_slice %arg3[%dma_start3A_44, %dma_start3A_45] : memref<2600000x64xf32, #tpu.memory_space<hbm>> -> memref<2600000x64xf32, #tpu.memory_space<hbm>>
    tpu.enqueue_indirect_dma source(%dma_start3A_46 : memref<2600000x64xf32, #tpu.memory_space<hbm>>) target(%dma_start3A_41 : memref<128x64xf32, #tpu.memory_space<vmem>>) offsets(%dma_start3A_43 : memref<128xi32, #tpu.memory_space<vmem>>) semaphore(%arg10 : memref<!tpu.dma_semaphore, #tpu.memory_space<semaphore_mem>>)
    %dma_wait3A = arith.constant 0 : i32
    %dma_wait3A_47 = arith.constant 0 : i32
    %dma_wait3A_48 = arith.constant 0 : i32
    %dma_wait3A_49 = tpu.memref_slice %arg6[%dma_wait3A, %dma_wait3A_47, %dma_wait3A_48] : memref<4x128x64xf32, #tpu.memory_space<vmem>> -> memref<1x128x64xf32, #tpu.memory_space<vmem>>
    %dma_wait3A_50 = tpu.memref_squeeze %dma_wait3A_49 : memref<1x128x64xf32, #tpu.memory_space<vmem>> -> memref<128x64xf32, #tpu.memory_space<vmem>>
    %dma_wait3A_51 = arith.constant 0 : i32
    %dma_wait3A_52 = tpu.memref_slice %arg5[%dma_wait3A_51] : memref<3328xi32, #tpu.memory_space<vmem>> -> memref<128xi32, #tpu.memory_space<vmem>>
    %dma_wait3A_53 = arith.constant 0 : i32
    %dma_wait3A_54 = arith.constant 0 : i32
    %dma_wait3A_55 = tpu.memref_slice %arg3[%dma_wait3A_53, %dma_wait3A_54] : memref<2600000x64xf32, #tpu.memory_space<hbm>> -> memref<2600000x64xf32, #tpu.memory_space<hbm>>
    tpu.wait_indirect_dma semaphore(%arg7 : memref<!tpu.dma_semaphore, #tpu.memory_space<semaphore_mem>>) src(%dma_wait3A_55 : memref<2600000x64xf32, #tpu.memory_space<hbm>>) dst(%dma_wait3A_50 : memref<128x64xf32, #tpu.memory_space<vmem>>)
    %add3A_56 = arith.constant 0 : i32
    %add3A_57 = arith.addi %mul3A_2, %add3A_56 : i32
    %dma_start3A_58 = arith.constant 0 : i32
    %dma_start3A_59 = arith.constant 0 : i32
    %dma_start3A_60 = arith.constant 0 : i32
    %dma_start3A_61 = tpu.memref_slice %arg6[%dma_start3A_58, %dma_start3A_59, %dma_start3A_60] : memref<4x128x64xf32, #tpu.memory_space<vmem>> -> memref<1x128x64xf32, #tpu.memory_space<vmem>>
    %dma_start3A_62 = tpu.memref_squeeze %dma_start3A_61 : memref<1x128x64xf32, #tpu.memory_space<vmem>> -> memref<128x64xf32, #tpu.memory_space<vmem>>
    %dma_start3A_63 = arith.constant 0 : i32
    %dma_start3A_64 = tpu.memref_slice %arg4[%add3A_57, %dma_start3A_63] : memref<106496x64xf32, #tpu.memory_space<hbm>> -> memref<128x64xf32, #tpu.memory_space<hbm>>
    %dma_start3A_65 = arith.constant 0 : i32
    %dma_start3A_66 = tpu.memref_slice %arg4[%add3A_57, %dma_start3A_65] : memref<106496x64xf32, #tpu.memory_space<hbm>> -> memref<128x64xf32, #tpu.memory_space<hbm>>
    %dma_start3A_67 = arith.constant 0 : i32
    %dma_start3A_68 = arith.constant 0 : i32
    %dma_start3A_69 = tpu.memref_slice %arg6[%dma_start3A_58, %dma_start3A_67, %dma_start3A_68] : memref<4x128x64xf32, #tpu.memory_space<vmem>> -> memref<1x128x64xf32, #tpu.memory_space<vmem>>
    %dma_start3A_70 = tpu.memref_squeeze %dma_start3A_69 : memref<1x128x64xf32, #tpu.memory_space<vmem>> -> memref<128x64xf32, #tpu.memory_space<vmem>>
    tpu.enqueue_dma source(%dma_start3A_70 : memref<128x64xf32, #tpu.memory_space<vmem>>) target(%dma_start3A_66 : memref<128x64xf32, #tpu.memory_space<hbm>>) target_semaphore(%arg11 : memref<!tpu.dma_semaphore, #tpu.memory_space<semaphore_mem>>)
    %dma_wait3A_71 = arith.constant 0 : i32
    %dma_wait3A_72 = arith.constant 0 : i32
    %dma_wait3A_73 = arith.constant 0 : i32
    %dma_wait3A_74 = tpu.memref_slice %arg6[%dma_wait3A_71, %dma_wait3A_72, %dma_wait3A_73] : memref<4x128x64xf32, #tpu.memory_space<vmem>> -> memref<1x128x64xf32, #tpu.memory_space<vmem>>
    %dma_wait3A_75 = tpu.memref_squeeze %dma_wait3A_74 : memref<1x128x64xf32, #tpu.memory_space<vmem>> -> memref<128x64xf32, #tpu.memory_space<vmem>>
    %dma_wait3A_76 = arith.constant 0 : i32
    %dma_wait3A_77 = tpu.memref_slice %arg4[%add3A_57, %dma_wait3A_76] : memref<106496x64xf32, #tpu.memory_space<hbm>> -> memref<128x64xf32, #tpu.memory_space<hbm>>
    %dma_wait3A_78 = arith.constant 0 : i32
    %dma_wait3A_79 = tpu.memref_slice %arg4[%add3A_57, %dma_wait3A_78] : memref<106496x64xf32, #tpu.memory_space<hbm>> -> memref<128x64xf32, #tpu.memory_space<hbm>>
    %dma_wait3A_80 = arith.constant 0 : i32
    %dma_wait3A_81 = arith.constant 0 : i32
    %dma_wait3A_82 = tpu.memref_slice %arg6[%dma_wait3A_71, %dma_wait3A_80, %dma_wait3A_81] : memref<4x128x64xf32, #tpu.memory_space<vmem>> -> memref<1x128x64xf32, #tpu.memory_space<vmem>>
    %dma_wait3A_83 = tpu.memref_squeeze %dma_wait3A_82 : memref<1x128x64xf32, #tpu.memory_space<vmem>> -> memref<128x64xf32, #tpu.memory_space<vmem>>
    tpu.wait_dma2 semaphore(%arg11 : memref<!tpu.dma_semaphore, #tpu.memory_space<semaphore_mem>>) src(%dma_wait3A_83 : memref<128x64xf32, #tpu.memory_space<vmem>>) dst(%dma_wait3A_79 : memref<128x64xf32, #tpu.memory_space<hbm>>)
    %dma_start3A_84 = arith.constant 0 : i32
    %dma_start3A_85 = arith.constant 0 : i32
    %dma_start3A_86 = arith.constant 0 : i32
    %dma_start3A_87 = tpu.memref_slice %arg6[%dma_start3A_84, %dma_start3A_85, %dma_start3A_86] : memref<4x128x64xf32, #tpu.memory_space<vmem>> -> memref<1x128x64xf32, #tpu.memory_space<vmem>>
    %dma_start3A_88 = tpu.memref_squeeze %dma_start3A_87 : memref<1x128x64xf32, #tpu.memory_space<vmem>> -> memref<128x64xf32, #tpu.memory_space<vmem>>
    %dma_start3A_89 = arith.constant 512 : i32
    %dma_start3A_90 = tpu.memref_slice %arg5[%dma_start3A_89] : memref<3328xi32, #tpu.memory_space<vmem>> -> memref<128xi32, #tpu.memory_space<vmem>>
    %dma_start3A_91 = arith.constant 0 : i32
    %dma_start3A_92 = arith.constant 0 : i32
    %dma_start3A_93 = tpu.memref_slice %arg3[%dma_start3A_91, %dma_start3A_92] : memref<2600000x64xf32, #tpu.memory_space<hbm>> -> memref<2600000x64xf32, #tpu.memory_space<hbm>>
    tpu.enqueue_indirect_dma source(%dma_start3A_93 : memref<2600000x64xf32, #tpu.memory_space<hbm>>) target(%dma_start3A_88 : memref<128x64xf32, #tpu.memory_space<vmem>>) offsets(%dma_start3A_90 : memref<128xi32, #tpu.memory_space<vmem>>) semaphore(%arg7 : memref<!tpu.dma_semaphore, #tpu.memory_space<semaphore_mem>>)
    %dma_wait3A_94 = arith.constant 1 : i32
    %dma_wait3A_95 = arith.constant 0 : i32
    %dma_wait3A_96 = arith.constant 0 : i32
    %dma_wait3A_97 = tpu.memref_slice %arg6[%dma_wait3A_94, %dma_wait3A_95, %dma_wait3A_96] : memref<4x128x64xf32, #tpu.memory_space<vmem>> -> memref<1x128x64xf32, #tpu.memory_space<vmem>>
    %dma_wait3A_98 = tpu.memref_squeeze %dma_wait3A_97 : memref<1x128x64xf32, #tpu.memory_space<vmem>> -> memref<128x64xf32, #tpu.memory_space<vmem>>
    %dma_wait3A_99 = arith.constant 128 : i32
    %dma_wait3A_100 = tpu.memref_slice %arg5[%dma_wait3A_99] : memref<3328xi32, #tpu.memory_space<vmem>> -> memref<128xi32, #tpu.memory_space<vmem>>
    %dma_wait3A_101 = arith.constant 0 : i32
    %dma_wait3A_102 = arith.constant 0 : i32
    %dma_wait3A_103 = tpu.memref_slice %arg3[%dma_wait3A_101, %dma_wait3A_102] : memref<2600000x64xf32, #tpu.memory_space<hbm>> -> memref<2600000x64xf32, #tpu.memory_space<hbm>>
    tpu.wait_indirect_dma semaphore(%arg8 : memref<!tpu.dma_semaphore, #tpu.memory_space<semaphore_mem>>) src(%dma_wait3A_103 : memref<2600000x64xf32, #tpu.memory_space<hbm>>) dst(%dma_wait3A_98 : memref<128x64xf32, #tpu.memory_space<vmem>>)
    %add3A_104 = arith.constant 128 : i32
    %add3A_105 = arith.addi %mul3A_2, %add3A_104 : i32
    %dma_start3A_106 = arith.constant 1 : i32
    %dma_start3A_107 = arith.constant 0 : i32
    %dma_start3A_108 = arith.constant 0 : i32
    %dma_start3A_109 = tpu.memref_slice %arg6[%dma_start3A_106, %dma_start3A_107, %dma_start3A_108] : memref<4x128x64xf32, #tpu.memory_space<vmem>> -> memref<1x128x64xf32, #tpu.memory_space<vmem>>
    %dma_start3A_110 = tpu.memref_squeeze %dma_start3A_109 : memref<1x128x64xf32, #tpu.memory_space<vmem>> -> memref<128x64xf32, #tpu.memory_space<vmem>>
    %dma_start3A_111 = arith.constant 0 : i32
    %dma_start3A_112 = tpu.memref_slice %arg4[%add3A_105, %dma_start3A_111] : memref<106496x64xf32, #tpu.memory_space<hbm>> -> memref<128x64xf32, #tpu.memory_space<hbm>>
    %dma_start3A_113 = arith.constant 0 : i32
    %dma_start3A_114 = tpu.memref_slice %arg4[%add3A_105, %dma_start3A_113] : memref<106496x64xf32, #tpu.memory_space<hbm>> -> memref<128x64xf32, #tpu.memory_space<hbm>>
    %dma_start3A_115 = arith.constant 0 : i32
    %dma_start3A_116 = arith.constant 0 : i32
    %dma_start3A_117 = tpu.memref_slice %arg6[%dma_start3A_106, %dma_start3A_115, %dma_start3A_116] : memref<4x128x64xf32, #tpu.memory_space<vmem>> -> memref<1x128x64xf32, #tpu.memory_space<vmem>>
    %dma_start3A_118 = tpu.memref_squeeze %dma_start3A_117 : memref<1x128x64xf32, #tpu.memory_space<vmem>> -> memref<128x64xf32, #tpu.memory_space<vmem>>
    tpu.enqueue_dma source(%dma_start3A_118 : memref<128x64xf32, #tpu.memory_space<vmem>>) target(%dma_start3A_114 : memref<128x64xf32, #tpu.memory_space<hbm>>) target_semaphore(%arg12 : memref<!tpu.dma_semaphore, #tpu.memory_space<semaphore_mem>>)
    %dma_wait3A_119 = arith.constant 1 : i32
    %dma_wait3A_120 = arith.constant 0 : i32
    %dma_wait3A_121 = arith.constant 0 : i32
    %dma_wait3A_122 = tpu.memref_slice %arg6[%dma_wait3A_119, %dma_wait3A_120, %dma_wait3A_121] : memref<4x128x64xf32, #tpu.memory_space<vmem>> -> memref<1x128x64xf32, #tpu.memory_space<vmem>>
    %dma_wait3A_123 = tpu.memref_squeeze %dma_wait3A_122 : memref<1x128x64xf32, #tpu.memory_space<vmem>> -> memref<128x64xf32, #tpu.memory_space<vmem>>
    %dma_wait3A_124 = arith.constant 0 : i32
    %dma_wait3A_125 = tpu.memref_slice %arg4[%add3A_105, %dma_wait3A_124] : memref<106496x64xf32, #tpu.memory_space<hbm>> -> memref<128x64xf32, #tpu.memory_space<hbm>>
    %dma_wait3A_126 = arith.constant 0 : i32
    %dma_wait3A_127 = tpu.memref_slice %arg4[%add3A_105, %dma_wait3A_126] : memref<106496x64xf32, #tpu.memory_space<hbm>> -> memref<128x64xf32, #tpu.memory_space<hbm>>
    %dma_wait3A_128 = arith.constant 0 : i32
    %dma_wait3A_129 = arith.constant 0 : i32
    %dma_wait3A_130 = tpu.memref_slice %arg6[%dma_wait3A_119, %dma_wait3A_128, %dma_wait3A_129] : memref<4x128x64xf32, #tpu.memory_space<vmem>> -> memref<1x128x64xf32, #tpu.memory_space<vmem>>
    %dma_wait3A_131 = tpu.memref_squeeze %dma_wait3A_130 : memref<1x128x64xf32, #tpu.memory_space<vmem>> -> memref<128x64xf32, #tpu.memory_space<vmem>>
    tpu.wait_dma2 semaphore(%arg12 : memref<!tpu.dma_semaphore, #tpu.memory_space<semaphore_mem>>) src(%dma_wait3A_131 : memref<128x64xf32, #tpu.memory_space<vmem>>) dst(%dma_wait3A_127 : memref<128x64xf32, #tpu.memory_space<hbm>>)
    %dma_start3A_132 = arith.constant 1 : i32
    %dma_start3A_133 = arith.constant 0 : i32
    %dma_start3A_134 = arith.constant 0 : i32
    %dma_start3A_135 = tpu.memref_slice %arg6[%dma_start3A_132, %dma_start3A_133, %dma_start3A_134] : memref<4x128x64xf32, #tpu.memory_space<vmem>> -> memref<1x128x64xf32, #tpu.memory_space<vmem>>
    %dma_start3A_136 = tpu.memref_squeeze %dma_start3A_135 : memref<1x128x64xf32, #tpu.memory_space<vmem>> -> memref<128x64xf32, #tpu.memory_space<vmem>>
    %dma_start3A_137 = arith.constant 640 : i32
    %dma_start3A_138 = tpu.memref_slice %arg5[%dma_start3A_137] : memref<3328xi32, #tpu.memory_space<vmem>> -> memref<128xi32, #tpu.memory_space<vmem>>
    %dma_start3A_139 = arith.constant 0 : i32
    %dma_start3A_140 = arith.constant 0 : i32
    %dma_start3A_141 = tpu.memref_slice %arg3[%dma_start3A_139, %dma_start3A_140] : memref<2600000x64xf32, #tpu.memory_space<hbm>> -> memref<2600000x64xf32, #tpu.memory_space<hbm>>
    tpu.enqueue_indirect_dma source(%dma_start3A_141 : memref<2600000x64xf32, #tpu.memory_space<hbm>>) target(%dma_start3A_136 : memref<128x64xf32, #tpu.memory_space<vmem>>) offsets(%dma_start3A_138 : memref<128xi32, #tpu.memory_space<vmem>>) semaphore(%arg8 : memref<!tpu.dma_semaphore, #tpu.memory_space<semaphore_mem>>)
    %dma_wait3A_142 = arith.constant 2 : i32
    %dma_wait3A_143 = arith.constant 0 : i32
    %dma_wait3A_144 = arith.constant 0 : i32
    %dma_wait3A_145 = tpu.memref_slice %arg6[%dma_wait3A_142, %dma_wait3A_143, %dma_wait3A_144] : memref<4x128x64xf32, #tpu.memory_space<vmem>> -> memref<1x128x64xf32, #tpu.memory_space<vmem>>
    %dma_wait3A_146 = tpu.memref_squeeze %dma_wait3A_145 : memref<1x128x64xf32, #tpu.memory_space<vmem>> -> memref<128x64xf32, #tpu.memory_space<vmem>>
    %dma_wait3A_147 = arith.constant 256 : i32
    %dma_wait3A_148 = tpu.memref_slice %arg5[%dma_wait3A_147] : memref<3328xi32, #tpu.memory_space<vmem>> -> memref<128xi32, #tpu.memory_space<vmem>>
    %dma_wait3A_149 = arith.constant 0 : i32
    %dma_wait3A_150 = arith.constant 0 : i32
    %dma_wait3A_151 = tpu.memref_slice %arg3[%dma_wait3A_149, %dma_wait3A_150] : memref<2600000x64xf32, #tpu.memory_space<hbm>> -> memref<2600000x64xf32, #tpu.memory_space<hbm>>
    tpu.wait_indirect_dma semaphore(%arg9 : memref<!tpu.dma_semaphore, #tpu.memory_space<semaphore_mem>>) src(%dma_wait3A_151 : memref<2600000x64xf32, #tpu.memory_space<hbm>>) dst(%dma_wait3A_146 : memref<128x64xf32, #tpu.memory_space<vmem>>)
    %add3A_152 = arith.constant 256 : i32
    %add3A_153 = arith.addi %mul3A_2, %add3A_152 : i32
    %dma_start3A_154 = arith.constant 2 : i32
    %dma_start3A_155 = arith.constant 0 : i32
    %dma_start3A_156 = arith.constant 0 : i32
    %dma_start3A_157 = tpu.memref_slice %arg6[%dma_start3A_154, %dma_start3A_155, %dma_start3A_156] : memref<4x128x64xf32, #tpu.memory_space<vmem>> -> memref<1x128x64xf32, #tpu.memory_space<vmem>>
    %dma_start3A_158 = tpu.memref_squeeze %dma_start3A_157 : memref<1x128x64xf32, #tpu.memory_space<vmem>> -> memref<128x64xf32, #tpu.memory_space<vmem>>
    %dma_start3A_159 = arith.constant 0 : i32
    %dma_start3A_160 = tpu.memref_slice %arg4[%add3A_153, %dma_start3A_159] : memref<106496x64xf32, #tpu.memory_space<hbm>> -> memref<128x64xf32, #tpu.memory_space<hbm>>
    %dma_start3A_161 = arith.constant 0 : i32
    %dma_start3A_162 = tpu.memref_slice %arg4[%add3A_153, %dma_start3A_161] : memref<106496x64xf32, #tpu.memory_space<hbm>> -> memref<128x64xf32, #tpu.memory_space<hbm>>
    %dma_start3A_163 = arith.constant 0 : i32
    %dma_start3A_164 = arith.constant 0 : i32
    %dma_start3A_165 = tpu.memref_slice %arg6[%dma_start3A_154, %dma_start3A_163, %dma_start3A_164] : memref<4x128x64xf32, #tpu.memory_space<vmem>> -> memref<1x128x64xf32, #tpu.memory_space<vmem>>
    %dma_start3A_166 = tpu.memref_squeeze %dma_start3A_165 : memref<1x128x64xf32, #tpu.memory_space<vmem>> -> memref<128x64xf32, #tpu.memory_space<vmem>>
    tpu.enqueue_dma source(%dma_start3A_166 : memref<128x64xf32, #tpu.memory_space<vmem>>) target(%dma_start3A_162 : memref<128x64xf32, #tpu.memory_space<hbm>>) target_semaphore(%arg13 : memref<!tpu.dma_semaphore, #tpu.memory_space<semaphore_mem>>)
    %dma_wait3A_167 = arith.constant 2 : i32
    %dma_wait3A_168 = arith.constant 0 : i32
    %dma_wait3A_169 = arith.constant 0 : i32
    %dma_wait3A_170 = tpu.memref_slice %arg6[%dma_wait3A_167, %dma_wait3A_168, %dma_wait3A_169] : memref<4x128x64xf32, #tpu.memory_space<vmem>> -> memref<1x128x64xf32, #tpu.memory_space<vmem>>
    %dma_wait3A_171 = tpu.memref_squeeze %dma_wait3A_170 : memref<1x128x64xf32, #tpu.memory_space<vmem>> -> memref<128x64xf32, #tpu.memory_space<vmem>>
    %dma_wait3A_172 = arith.constant 0 : i32
    %dma_wait3A_173 = tpu.memref_slice %arg4[%add3A_153, %dma_wait3A_172] : memref<106496x64xf32, #tpu.memory_space<hbm>> -> memref<128x64xf32, #tpu.memory_space<hbm>>
    %dma_wait3A_174 = arith.constant 0 : i32
    %dma_wait3A_175 = tpu.memref_slice %arg4[%add3A_153, %dma_wait3A_174] : memref<106496x64xf32, #tpu.memory_space<hbm>> -> memref<128x64xf32, #tpu.memory_space<hbm>>
    %dma_wait3A_176 = arith.constant 0 : i32
    %dma_wait3A_177 = arith.constant 0 : i32
    %dma_wait3A_178 = tpu.memref_slice %arg6[%dma_wait3A_167, %dma_wait3A_176, %dma_wait3A_177] : memref<4x128x64xf32, #tpu.memory_space<vmem>> -> memref<1x128x64xf32, #tpu.memory_space<vmem>>
    %dma_wait3A_179 = tpu.memref_squeeze %dma_wait3A_178 : memref<1x128x64xf32, #tpu.memory_space<vmem>> -> memref<128x64xf32, #tpu.memory_space<vmem>>
    tpu.wait_dma2 semaphore(%arg13 : memref<!tpu.dma_semaphore, #tpu.memory_space<semaphore_mem>>) src(%dma_wait3A_179 : memref<128x64xf32, #tpu.memory_space<vmem>>) dst(%dma_wait3A_175 : memref<128x64xf32, #tpu.memory_space<hbm>>)
    %dma_start3A_180 = arith.constant 2 : i32
    %dma_start3A_181 = arith.constant 0 : i32
    %dma_start3A_182 = arith.constant 0 : i32
    %dma_start3A_183 = tpu.memref_slice %arg6[%dma_start3A_180, %dma_start3A_181, %dma_start3A_182] : memref<4x128x64xf32, #tpu.memory_space<vmem>> -> memref<1x128x64xf32, #tpu.memory_space<vmem>>
    %dma_start3A_184 = tpu.memref_squeeze %dma_start3A_183 : memref<1x128x64xf32, #tpu.memory_space<vmem>> -> memref<128x64xf32, #tpu.memory_space<vmem>>
    %dma_start3A_185 = arith.constant 768 : i32
    %dma_start3A_186 = tpu.memref_slice %arg5[%dma_start3A_185] : memref<3328xi32, #tpu.memory_space<vmem>> -> memref<128xi32, #tpu.memory_space<vmem>>
    %dma_start3A_187 = arith.constant 0 : i32
    %dma_start3A_188 = arith.constant 0 : i32
    %dma_start3A_189 = tpu.memref_slice %arg3[%dma_start3A_187, %dma_start3A_188] : memref<2600000x64xf32, #tpu.memory_space<hbm>> -> memref<2600000x64xf32, #tpu.memory_space<hbm>>
    tpu.enqueue_indirect_dma source(%dma_start3A_189 : memref<2600000x64xf32, #tpu.memory_space<hbm>>) target(%dma_start3A_184 : memref<128x64xf32, #tpu.memory_space<vmem>>) offsets(%dma_start3A_186 : memref<128xi32, #tpu.memory_space<vmem>>) semaphore(%arg9 : memref<!tpu.dma_semaphore, #tpu.memory_space<semaphore_mem>>)
    %dma_wait3A_190 = arith.constant 3 : i32
    %dma_wait3A_191 = arith.constant 0 : i32
    %dma_wait3A_192 = arith.constant 0 : i32
    %dma_wait3A_193 = tpu.memref_slice %arg6[%dma_wait3A_190, %dma_wait3A_191, %dma_wait3A_192] : memref<4x128x64xf32, #tpu.memory_space<vmem>> -> memref<1x128x64xf32, #tpu.memory_space<vmem>>
    %dma_wait3A_194 = tpu.memref_squeeze %dma_wait3A_193 : memref<1x128x64xf32, #tpu.memory_space<vmem>> -> memref<128x64xf32, #tpu.memory_space<vmem>>
    %dma_wait3A_195 = arith.constant 384 : i32
    %dma_wait3A_196 = tpu.memref_slice %arg5[%dma_wait3A_195] : memref<3328xi32, #tpu.memory_space<vmem>> -> memref<128xi32, #tpu.memory_space<vmem>>
    %dma_wait3A_197 = arith.constant 0 : i32
    %dma_wait3A_198 = arith.constant 0 : i32
    %dma_wait3A_199 = tpu.memref_slice %arg3[%dma_wait3A_197, %dma_wait3A_198] : memref<2600000x64xf32, #tpu.memory_space<hbm>> -> memref<2600000x64xf32, #tpu.memory_space<hbm>>
    tpu.wait_indirect_dma semaphore(%arg10 : memref<!tpu.dma_semaphore, #tpu.memory_space<semaphore_mem>>) src(%dma_wait3A_199 : memref<2600000x64xf32, #tpu.memory_space<hbm>>) dst(%dma_wait3A_194 : memref<128x64xf32, #tpu.memory_space<vmem>>)
    %add3A_200 = arith.constant 384 : i32
    %add3A_201 = arith.addi %mul3A_2, %add3A_200 : i32
    %dma_start3A_202 = arith.constant 3 : i32
    %dma_start3A_203 = arith.constant 0 : i32
    %dma_start3A_204 = arith.constant 0 : i32
    %dma_start3A_205 = tpu.memref_slice %arg6[%dma_start3A_202, %dma_start3A_203, %dma_start3A_204] : memref<4x128x64xf32, #tpu.memory_space<vmem>> -> memref<1x128x64xf32, #tpu.memory_space<vmem>>
    %dma_start3A_206 = tpu.memref_squeeze %dma_start3A_205 : memref<1x128x64xf32, #tpu.memory_space<vmem>> -> memref<128x64xf32, #tpu.memory_space<vmem>>
    %dma_start3A_207 = arith.constant 0 : i32
    %dma_start3A_208 = tpu.memref_slice %arg4[%add3A_201, %dma_start3A_207] : memref<106496x64xf32, #tpu.memory_space<hbm>> -> memref<128x64xf32, #tpu.memory_space<hbm>>
    %dma_start3A_209 = arith.constant 0 : i32
    %dma_start3A_210 = tpu.memref_slice %arg4[%add3A_201, %dma_start3A_209] : memref<106496x64xf32, #tpu.memory_space<hbm>> -> memref<128x64xf32, #tpu.memory_space<hbm>>
    %dma_start3A_211 = arith.constant 0 : i32
    %dma_start3A_212 = arith.constant 0 : i32
    %dma_start3A_213 = tpu.memref_slice %arg6[%dma_start3A_202, %dma_start3A_211, %dma_start3A_212] : memref<4x128x64xf32, #tpu.memory_space<vmem>> -> memref<1x128x64xf32, #tpu.memory_space<vmem>>
    %dma_start3A_214 = tpu.memref_squeeze %dma_start3A_213 : memref<1x128x64xf32, #tpu.memory_space<vmem>> -> memref<128x64xf32, #tpu.memory_space<vmem>>
    tpu.enqueue_dma source(%dma_start3A_214 : memref<128x64xf32, #tpu.memory_space<vmem>>) target(%dma_start3A_210 : memref<128x64xf32, #tpu.memory_space<hbm>>) target_semaphore(%arg14 : memref<!tpu.dma_semaphore, #tpu.memory_space<semaphore_mem>>)
    %dma_wait3A_215 = arith.constant 3 : i32
    %dma_wait3A_216 = arith.constant 0 : i32
    %dma_wait3A_217 = arith.constant 0 : i32
    %dma_wait3A_218 = tpu.memref_slice %arg6[%dma_wait3A_215, %dma_wait3A_216, %dma_wait3A_217] : memref<4x128x64xf32, #tpu.memory_space<vmem>> -> memref<1x128x64xf32, #tpu.memory_space<vmem>>
    %dma_wait3A_219 = tpu.memref_squeeze %dma_wait3A_218 : memref<1x128x64xf32, #tpu.memory_space<vmem>> -> memref<128x64xf32, #tpu.memory_space<vmem>>
    %dma_wait3A_220 = arith.constant 0 : i32
    %dma_wait3A_221 = tpu.memref_slice %arg4[%add3A_201, %dma_wait3A_220] : memref<106496x64xf32, #tpu.memory_space<hbm>> -> memref<128x64xf32, #tpu.memory_space<hbm>>
    %dma_wait3A_222 = arith.constant 0 : i32
    %dma_wait3A_223 = tpu.memref_slice %arg4[%add3A_201, %dma_wait3A_222] : memref<106496x64xf32, #tpu.memory_space<hbm>> -> memref<128x64xf32, #tpu.memory_space<hbm>>
    %dma_wait3A_224 = arith.constant 0 : i32
    %dma_wait3A_225 = arith.constant 0 : i32
    %dma_wait3A_226 = tpu.memref_slice %arg6[%dma_wait3A_215, %dma_wait3A_224, %dma_wait3A_225] : memref<4x128x64xf32, #tpu.memory_space<vmem>> -> memref<1x128x64xf32, #tpu.memory_space<vmem>>
    %dma_wait3A_227 = tpu.memref_squeeze %dma_wait3A_226 : memref<1x128x64xf32, #tpu.memory_space<vmem>> -> memref<128x64xf32, #tpu.memory_space<vmem>>
    tpu.wait_dma2 semaphore(%arg14 : memref<!tpu.dma_semaphore, #tpu.memory_space<semaphore_mem>>) src(%dma_wait3A_227 : memref<128x64xf32, #tpu.memory_space<vmem>>) dst(%dma_wait3A_223 : memref<128x64xf32, #tpu.memory_space<hbm>>)
    %dma_start3A_228 = arith.constant 3 : i32
    %dma_start3A_229 = arith.constant 0 : i32
    %dma_start3A_230 = arith.constant 0 : i32
    %dma_start3A_231 = tpu.memref_slice %arg6[%dma_start3A_228, %dma_start3A_229, %dma_start3A_230] : memref<4x128x64xf32, #tpu.memory_space<vmem>> -> memref<1x128x64xf32, #tpu.memory_space<vmem>>
    %dma_start3A_232 = tpu.memref_squeeze %dma_start3A_231 : memref<1x128x64xf32, #tpu.memory_space<vmem>> -> memref<128x64xf32, #tpu.memory_space<vmem>>
    %dma_start3A_233 = arith.constant 896 : i32
    %dma_start3A_234 = tpu.memref_slice %arg5[%dma_start3A_233] : memref<3328xi32, #tpu.memory_space<vmem>> -> memref<128xi32, #tpu.memory_space<vmem>>
    %dma_start3A_235 = arith.constant 0 : i32
    %dma_start3A_236 = arith.constant 0 : i32
    %dma_start3A_237 = tpu.memref_slice %arg3[%dma_start3A_235, %dma_start3A_236] : memref<2600000x64xf32, #tpu.memory_space<hbm>> -> memref<2600000x64xf32, #tpu.memory_space<hbm>>
    tpu.enqueue_indirect_dma source(%dma_start3A_237 : memref<2600000x64xf32, #tpu.memory_space<hbm>>) target(%dma_start3A_232 : memref<128x64xf32, #tpu.memory_space<vmem>>) offsets(%dma_start3A_234 : memref<128xi32, #tpu.memory_space<vmem>>) semaphore(%arg10 : memref<!tpu.dma_semaphore, #tpu.memory_space<semaphore_mem>>)
    %dma_wait3A_238 = arith.constant 0 : i32
    %dma_wait3A_239 = arith.constant 0 : i32
    %dma_wait3A_240 = arith.constant 0 : i32
    %dma_wait3A_241 = tpu.memref_slice %arg6[%dma_wait3A_238, %dma_wait3A_239, %dma_wait3A_240] : memref<4x128x64xf32, #tpu.memory_space<vmem>> -> memref<1x128x64xf32, #tpu.memory_space<vmem>>
    %dma_wait3A_242 = tpu.memref_squeeze %dma_wait3A_241 : memref<1x128x64xf32, #tpu.memory_space<vmem>> -> memref<128x64xf32, #tpu.memory_space<vmem>>
    %dma_wait3A_243 = arith.constant 512 : i32
    %dma_wait3A_244 = tpu.memref_slice %arg5[%dma_wait3A_243] : memref<3328xi32, #tpu.memory_space<vmem>> -> memref<128xi32, #tpu.memory_space<vmem>>
    %dma_wait3A_245 = arith.constant 0 : i32
    %dma_wait3A_246 = arith.constant 0 : i32
    %dma_wait3A_247 = tpu.memref_slice %arg3[%dma_wait3A_245, %dma_wait3A_246] : memref<2600000x64xf32, #tpu.memory_space<hbm>> -> memref<2600000x64xf32, #tpu.memory_space<hbm>>
    tpu.wait_indirect_dma semaphore(%arg7 : memref<!tpu.dma_semaphore, #tpu.memory_space<semaphore_mem>>) src(%dma_wait3A_247 : memref<2600000x64xf32, #tpu.memory_space<hbm>>) dst(%dma_wait3A_242 : memref<128x64xf32, #tpu.memory_space<vmem>>)
    %add3A_248 = arith.constant 512 : i32
    %add3A_249 = arith.addi %mul3A_2, %add3A_248 : i32
    %dma_start3A_250 = arith.constant 0 : i32
    %dma_start3A_251 = arith.constant 0 : i32
    %dma_start3A_252 = arith.constant 0 : i32
    %dma_start3A_253 = tpu.memref_slice %arg6[%dma_start3A_250, %dma_start3A_251, %dma_start3A_252] : memref<4x128x64xf32, #tpu.memory_space<vmem>> -> memref<1x128x64xf32, #tpu.memory_space<vmem>>
    %dma_start3A_254 = tpu.memref_squeeze %dma_start3A_253 : memref<1x128x64xf32, #tpu.memory_space<vmem>> -> memref<128x64xf32, #tpu.memory_space<vmem>>
    %dma_start3A_255 = arith.constant 0 : i32
    %dma_start3A_256 = tpu.memref_slice %arg4[%add3A_249, %dma_start3A_255] : memref<106496x64xf32, #tpu.memory_space<hbm>> -> memref<128x64xf32, #tpu.memory_space<hbm>>
    %dma_start3A_257 = arith.constant 0 : i32
    %dma_start3A_258 = tpu.memref_slice %arg4[%add3A_249, %dma_start3A_257] : memref<106496x64xf32, #tpu.memory_space<hbm>> -> memref<128x64xf32, #tpu.memory_space<hbm>>
    %dma_start3A_259 = arith.constant 0 : i32
    %dma_start3A_260 = arith.constant 0 : i32
    %dma_start3A_261 = tpu.memref_slice %arg6[%dma_start3A_250, %dma_start3A_259, %dma_start3A_260] : memref<4x128x64xf32, #tpu.memory_space<vmem>> -> memref<1x128x64xf32, #tpu.memory_space<vmem>>
    %dma_start3A_262 = tpu.memref_squeeze %dma_start3A_261 : memref<1x128x64xf32, #tpu.memory_space<vmem>> -> memref<128x64xf32, #tpu.memory_space<vmem>>
    tpu.enqueue_dma source(%dma_start3A_262 : memref<128x64xf32, #tpu.memory_space<vmem>>) target(%dma_start3A_258 : memref<128x64xf32, #tpu.memory_space<hbm>>) target_semaphore(%arg11 : memref<!tpu.dma_semaphore, #tpu.memory_space<semaphore_mem>>)
    %dma_wait3A_263 = arith.constant 0 : i32
    %dma_wait3A_264 = arith.constant 0 : i32
    %dma_wait3A_265 = arith.constant 0 : i32
    %dma_wait3A_266 = tpu.memref_slice %arg6[%dma_wait3A_263, %dma_wait3A_264, %dma_wait3A_265] : memref<4x128x64xf32, #tpu.memory_space<vmem>> -> memref<1x128x64xf32, #tpu.memory_space<vmem>>
    %dma_wait3A_267 = tpu.memref_squeeze %dma_wait3A_266 : memref<1x128x64xf32, #tpu.memory_space<vmem>> -> memref<128x64xf32, #tpu.memory_space<vmem>>
    %dma_wait3A_268 = arith.constant 0 : i32
    %dma_wait3A_269 = tpu.memref_slice %arg4[%add3A_249, %dma_wait3A_268] : memref<106496x64xf32, #tpu.memory_space<hbm>> -> memref<128x64xf32, #tpu.memory_space<hbm>>
    %dma_wait3A_270 = arith.constant 0 : i32
    %dma_wait3A_271 = tpu.memref_slice %arg4[%add3A_249, %dma_wait3A_270] : memref<106496x64xf32, #tpu.memory_space<hbm>> -> memref<128x64xf32, #tpu.memory_space<hbm>>
    %dma_wait3A_272 = arith.constant 0 : i32
    %dma_wait3A_273 = arith.constant 0 : i32
    %dma_wait3A_274 = tpu.memref_slice %arg6[%dma_wait3A_263, %dma_wait3A_272, %dma_wait3A_273] : memref<4x128x64xf32, #tpu.memory_space<vmem>> -> memref<1x128x64xf32, #tpu.memory_space<vmem>>
    %dma_wait3A_275 = tpu.memref_squeeze %dma_wait3A_274 : memref<1x128x64xf32, #tpu.memory_space<vmem>> -> memref<128x64xf32, #tpu.memory_space<vmem>>
    tpu.wait_dma2 semaphore(%arg11 : memref<!tpu.dma_semaphore, #tpu.memory_space<semaphore_mem>>) src(%dma_wait3A_275 : memref<128x64xf32, #tpu.memory_space<vmem>>) dst(%dma_wait3A_271 : memref<128x64xf32, #tpu.memory_space<hbm>>)
    %dma_start3A_276 = arith.constant 0 : i32
    %dma_start3A_277 = arith.constant 0 : i32
    %dma_start3A_278 = arith.constant 0 : i32
    %dma_start3A_279 = tpu.memref_slice %arg6[%dma_start3A_276, %dma_start3A_277, %dma_start3A_278] : memref<4x128x64xf32, #tpu.memory_space<vmem>> -> memref<1x128x64xf32, #tpu.memory_space<vmem>>
    %dma_start3A_280 = tpu.memref_squeeze %dma_start3A_279 : memref<1x128x64xf32, #tpu.memory_space<vmem>> -> memref<128x64xf32, #tpu.memory_space<vmem>>
    %dma_start3A_281 = arith.constant 1024 : i32
    %dma_start3A_282 = tpu.memref_slice %arg5[%dma_start3A_281] : memref<3328xi32, #tpu.memory_space<vmem>> -> memref<128xi32, #tpu.memory_space<vmem>>
    %dma_start3A_283 = arith.constant 0 : i32
    %dma_start3A_284 = arith.constant 0 : i32
    %dma_start3A_285 = tpu.memref_slice %arg3[%dma_start3A_283, %dma_start3A_284] : memref<2600000x64xf32, #tpu.memory_space<hbm>> -> memref<2600000x64xf32, #tpu.memory_space<hbm>>
    tpu.enqueue_indirect_dma source(%dma_start3A_285 : memref<2600000x64xf32, #tpu.memory_space<hbm>>) target(%dma_start3A_280 : memref<128x64xf32, #tpu.memory_space<vmem>>) offsets(%dma_start3A_282 : memref<128xi32, #tpu.memory_space<vmem>>) semaphore(%arg7 : memref<!tpu.dma_semaphore, #tpu.memory_space<semaphore_mem>>)
    %dma_wait3A_286 = arith.constant 1 : i32
    %dma_wait3A_287 = arith.constant 0 : i32
    %dma_wait3A_288 = arith.constant 0 : i32
    %dma_wait3A_289 = tpu.memref_slice %arg6[%dma_wait3A_286, %dma_wait3A_287, %dma_wait3A_288] : memref<4x128x64xf32, #tpu.memory_space<vmem>> -> memref<1x128x64xf32, #tpu.memory_space<vmem>>
    %dma_wait3A_290 = tpu.memref_squeeze %dma_wait3A_289 : memref<1x128x64xf32, #tpu.memory_space<vmem>> -> memref<128x64xf32, #tpu.memory_space<vmem>>
    %dma_wait3A_291 = arith.constant 640 : i32
    %dma_wait3A_292 = tpu.memref_slice %arg5[%dma_wait3A_291] : memref<3328xi32, #tpu.memory_space<vmem>> -> memref<128xi32, #tpu.memory_space<vmem>>
    %dma_wait3A_293 = arith.constant 0 : i32
    %dma_wait3A_294 = arith.constant 0 : i32
    %dma_wait3A_295 = tpu.memref_slice %arg3[%dma_wait3A_293, %dma_wait3A_294] : memref<2600000x64xf32, #tpu.memory_space<hbm>> -> memref<2600000x64xf32, #tpu.memory_space<hbm>>
    tpu.wait_indirect_dma semaphore(%arg8 : memref<!tpu.dma_semaphore, #tpu.memory_space<semaphore_mem>>) src(%dma_wait3A_295 : memref<2600000x64xf32, #tpu.memory_space<hbm>>) dst(%dma_wait3A_290 : memref<128x64xf32, #tpu.memory_space<vmem>>)
    %add3A_296 = arith.constant 640 : i32
    %add3A_297 = arith.addi %mul3A_2, %add3A_296 : i32
    %dma_start3A_298 = arith.constant 1 : i32
    %dma_start3A_299 = arith.constant 0 : i32
    %dma_start3A_300 = arith.constant 0 : i32
    %dma_start3A_301 = tpu.memref_slice %arg6[%dma_start3A_298, %dma_start3A_299, %dma_start3A_300] : memref<4x128x64xf32, #tpu.memory_space<vmem>> -> memref<1x128x64xf32, #tpu.memory_space<vmem>>
    %dma_start3A_302 = tpu.memref_squeeze %dma_start3A_301 : memref<1x128x64xf32, #tpu.memory_space<vmem>> -> memref<128x64xf32, #tpu.memory_space<vmem>>
    %dma_start3A_303 = arith.constant 0 : i32
    %dma_start3A_304 = tpu.memref_slice %arg4[%add3A_297, %dma_start3A_303] : memref<106496x64xf32, #tpu.memory_space<hbm>> -> memref<128x64xf32, #tpu.memory_space<hbm>>
    %dma_start3A_305 = arith.constant 0 : i32
    %dma_start3A_306 = tpu.memref_slice %arg4[%add3A_297, %dma_start3A_305] : memref<106496x64xf32, #tpu.memory_space<hbm>> -> memref<128x64xf32, #tpu.memory_space<hbm>>
    %dma_start3A_307 = arith.constant 0 : i32
    %dma_start3A_308 = arith.constant 0 : i32
    %dma_start3A_309 = tpu.memref_slice %arg6[%dma_start3A_298, %dma_start3A_307, %dma_start3A_308] : memref<4x128x64xf32, #tpu.memory_space<vmem>> -> memref<1x128x64xf32, #tpu.memory_space<vmem>>
    %dma_start3A_310 = tpu.memref_squeeze %dma_start3A_309 : memref<1x128x64xf32, #tpu.memory_space<vmem>> -> memref<128x64xf32, #tpu.memory_space<vmem>>
    tpu.enqueue_dma source(%dma_start3A_310 : memref<128x64xf32, #tpu.memory_space<vmem>>) target(%dma_start3A_306 : memref<128x64xf32, #tpu.memory_space<hbm>>) target_semaphore(%arg12 : memref<!tpu.dma_semaphore, #tpu.memory_space<semaphore_mem>>)
    %dma_wait3A_311 = arith.constant 1 : i32
    %dma_wait3A_312 = arith.constant 0 : i32
    %dma_wait3A_313 = arith.constant 0 : i32
    %dma_wait3A_314 = tpu.memref_slice %arg6[%dma_wait3A_311, %dma_wait3A_312, %dma_wait3A_313] : memref<4x128x64xf32, #tpu.memory_space<vmem>> -> memref<1x128x64xf32, #tpu.memory_space<vmem>>
    %dma_wait3A_315 = tpu.memref_squeeze %dma_wait3A_314 : memref<1x128x64xf32, #tpu.memory_space<vmem>> -> memref<128x64xf32, #tpu.memory_space<vmem>>
    %dma_wait3A_316 = arith.constant 0 : i32
    %dma_wait3A_317 = tpu.memref_slice %arg4[%add3A_297, %dma_wait3A_316] : memref<106496x64xf32, #tpu.memory_space<hbm>> -> memref<128x64xf32, #tpu.memory_space<hbm>>
    %dma_wait3A_318 = arith.constant 0 : i32
    %dma_wait3A_319 = tpu.memref_slice %arg4[%add3A_297, %dma_wait3A_318] : memref<106496x64xf32, #tpu.memory_space<hbm>> -> memref<128x64xf32, #tpu.memory_space<hbm>>
    %dma_wait3A_320 = arith.constant 0 : i32
    %dma_wait3A_321 = arith.constant 0 : i32
    %dma_wait3A_322 = tpu.memref_slice %arg6[%dma_wait3A_311, %dma_wait3A_320, %dma_wait3A_321] : memref<4x128x64xf32, #tpu.memory_space<vmem>> -> memref<1x128x64xf32, #tpu.memory_space<vmem>>
    %dma_wait3A_323 = tpu.memref_squeeze %dma_wait3A_322 : memref<1x128x64xf32, #tpu.memory_space<vmem>> -> memref<128x64xf32, #tpu.memory_space<vmem>>
    tpu.wait_dma2 semaphore(%arg12 : memref<!tpu.dma_semaphore, #tpu.memory_space<semaphore_mem>>) src(%dma_wait3A_323 : memref<128x64xf32, #tpu.memory_space<vmem>>) dst(%dma_wait3A_319 : memref<128x64xf32, #tpu.memory_space<hbm>>)
    %dma_start3A_324 = arith.constant 1 : i32
    %dma_start3A_325 = arith.constant 0 : i32
    %dma_start3A_326 = arith.constant 0 : i32
    %dma_start3A_327 = tpu.memref_slice %arg6[%dma_start3A_324, %dma_start3A_325, %dma_start3A_326] : memref<4x128x64xf32, #tpu.memory_space<vmem>> -> memref<1x128x64xf32, #tpu.memory_space<vmem>>
    %dma_start3A_328 = tpu.memref_squeeze %dma_start3A_327 : memref<1x128x64xf32, #tpu.memory_space<vmem>> -> memref<128x64xf32, #tpu.memory_space<vmem>>
    %dma_start3A_329 = arith.constant 1152 : i32
    %dma_start3A_330 = tpu.memref_slice %arg5[%dma_start3A_329] : memref<3328xi32, #tpu.memory_space<vmem>> -> memref<128xi32, #tpu.memory_space<vmem>>
    %dma_start3A_331 = arith.constant 0 : i32
    %dma_start3A_332 = arith.constant 0 : i32
    %dma_start3A_333 = tpu.memref_slice %arg3[%dma_start3A_331, %dma_start3A_332] : memref<2600000x64xf32, #tpu.memory_space<hbm>> -> memref<2600000x64xf32, #tpu.memory_space<hbm>>
    tpu.enqueue_indirect_dma source(%dma_start3A_333 : memref<2600000x64xf32, #tpu.memory_space<hbm>>) target(%dma_start3A_328 : memref<128x64xf32, #tpu.memory_space<vmem>>) offsets(%dma_start3A_330 : memref<128xi32, #tpu.memory_space<vmem>>) semaphore(%arg8 : memref<!tpu.dma_semaphore, #tpu.memory_space<semaphore_mem>>)
    %dma_wait3A_334 = arith.constant 2 : i32
    %dma_wait3A_335 = arith.constant 0 : i32
    %dma_wait3A_336 = arith.constant 0 : i32
    %dma_wait3A_337 = tpu.memref_slice %arg6[%dma_wait3A_334, %dma_wait3A_335, %dma_wait3A_336] : memref<4x128x64xf32, #tpu.memory_space<vmem>> -> memref<1x128x64xf32, #tpu.memory_space<vmem>>
    %dma_wait3A_338 = tpu.memref_squeeze %dma_wait3A_337 : memref<1x128x64xf32, #tpu.memory_space<vmem>> -> memref<128x64xf32, #tpu.memory_space<vmem>>
    %dma_wait3A_339 = arith.constant 768 : i32
    %dma_wait3A_340 = tpu.memref_slice %arg5[%dma_wait3A_339] : memref<3328xi32, #tpu.memory_space<vmem>> -> memref<128xi32, #tpu.memory_space<vmem>>
    %dma_wait3A_341 = arith.constant 0 : i32
    %dma_wait3A_342 = arith.constant 0 : i32
    %dma_wait3A_343 = tpu.memref_slice %arg3[%dma_wait3A_341, %dma_wait3A_342] : memref<2600000x64xf32, #tpu.memory_space<hbm>> -> memref<2600000x64xf32, #tpu.memory_space<hbm>>
    tpu.wait_indirect_dma semaphore(%arg9 : memref<!tpu.dma_semaphore, #tpu.memory_space<semaphore_mem>>) src(%dma_wait3A_343 : memref<2600000x64xf32, #tpu.memory_space<hbm>>) dst(%dma_wait3A_338 : memref<128x64xf32, #tpu.memory_space<vmem>>)
    %add3A_344 = arith.constant 768 : i32
    %add3A_345 = arith.addi %mul3A_2, %add3A_344 : i32
    %dma_start3A_346 = arith.constant 2 : i32
    %dma_start3A_347 = arith.constant 0 : i32
    %dma_start3A_348 = arith.constant 0 : i32
    %dma_start3A_349 = tpu.memref_slice %arg6[%dma_start3A_346, %dma_start3A_347, %dma_start3A_348] : memref<4x128x64xf32, #tpu.memory_space<vmem>> -> memref<1x128x64xf32, #tpu.memory_space<vmem>>
    %dma_start3A_350 = tpu.memref_squeeze %dma_start3A_349 : memref<1x128x64xf32, #tpu.memory_space<vmem>> -> memref<128x64xf32, #tpu.memory_space<vmem>>
    %dma_start3A_351 = arith.constant 0 : i32
    %dma_start3A_352 = tpu.memref_slice %arg4[%add3A_345, %dma_start3A_351] : memref<106496x64xf32, #tpu.memory_space<hbm>> -> memref<128x64xf32, #tpu.memory_space<hbm>>
    %dma_start3A_353 = arith.constant 0 : i32
    %dma_start3A_354 = tpu.memref_slice %arg4[%add3A_345, %dma_start3A_353] : memref<106496x64xf32, #tpu.memory_space<hbm>> -> memref<128x64xf32, #tpu.memory_space<hbm>>
    %dma_start3A_355 = arith.constant 0 : i32
    %dma_start3A_356 = arith.constant 0 : i32
    %dma_start3A_357 = tpu.memref_slice %arg6[%dma_start3A_346, %dma_start3A_355, %dma_start3A_356] : memref<4x128x64xf32, #tpu.memory_space<vmem>> -> memref<1x128x64xf32, #tpu.memory_space<vmem>>
    %dma_start3A_358 = tpu.memref_squeeze %dma_start3A_357 : memref<1x128x64xf32, #tpu.memory_space<vmem>> -> memref<128x64xf32, #tpu.memory_space<vmem>>
    tpu.enqueue_dma source(%dma_start3A_358 : memref<128x64xf32, #tpu.memory_space<vmem>>) target(%dma_start3A_354 : memref<128x64xf32, #tpu.memory_space<hbm>>) target_semaphore(%arg13 : memref<!tpu.dma_semaphore, #tpu.memory_space<semaphore_mem>>)
    %dma_wait3A_359 = arith.constant 2 : i32
    %dma_wait3A_360 = arith.constant 0 : i32
    %dma_wait3A_361 = arith.constant 0 : i32
    %dma_wait3A_362 = tpu.memref_slice %arg6[%dma_wait3A_359, %dma_wait3A_360, %dma_wait3A_361] : memref<4x128x64xf32, #tpu.memory_space<vmem>> -> memref<1x128x64xf32, #tpu.memory_space<vmem>>
    %dma_wait3A_363 = tpu.memref_squeeze %dma_wait3A_362 : memref<1x128x64xf32, #tpu.memory_space<vmem>> -> memref<128x64xf32, #tpu.memory_space<vmem>>
    %dma_wait3A_364 = arith.constant 0 : i32
    %dma_wait3A_365 = tpu.memref_slice %arg4[%add3A_345, %dma_wait3A_364] : memref<106496x64xf32, #tpu.memory_space<hbm>> -> memref<128x64xf32, #tpu.memory_space<hbm>>
    %dma_wait3A_366 = arith.constant 0 : i32
    %dma_wait3A_367 = tpu.memref_slice %arg4[%add3A_345, %dma_wait3A_366] : memref<106496x64xf32, #tpu.memory_space<hbm>> -> memref<128x64xf32, #tpu.memory_space<hbm>>
    %dma_wait3A_368 = arith.constant 0 : i32
    %dma_wait3A_369 = arith.constant 0 : i32
    %dma_wait3A_370 = tpu.memref_slice %arg6[%dma_wait3A_359, %dma_wait3A_368, %dma_wait3A_369] : memref<4x128x64xf32, #tpu.memory_space<vmem>> -> memref<1x128x64xf32, #tpu.memory_space<vmem>>
    %dma_wait3A_371 = tpu.memref_squeeze %dma_wait3A_370 : memref<1x128x64xf32, #tpu.memory_space<vmem>> -> memref<128x64xf32, #tpu.memory_space<vmem>>
    tpu.wait_dma2 semaphore(%arg13 : memref<!tpu.dma_semaphore, #tpu.memory_space<semaphore_mem>>) src(%dma_wait3A_371 : memref<128x64xf32, #tpu.memory_space<vmem>>) dst(%dma_wait3A_367 : memref<128x64xf32, #tpu.memory_space<hbm>>)
    %dma_start3A_372 = arith.constant 2 : i32
    %dma_start3A_373 = arith.constant 0 : i32
    %dma_start3A_374 = arith.constant 0 : i32
    %dma_start3A_375 = tpu.memref_slice %arg6[%dma_start3A_372, %dma_start3A_373, %dma_start3A_374] : memref<4x128x64xf32, #tpu.memory_space<vmem>> -> memref<1x128x64xf32, #tpu.memory_space<vmem>>
    %dma_start3A_376 = tpu.memref_squeeze %dma_start3A_375 : memref<1x128x64xf32, #tpu.memory_space<vmem>> -> memref<128x64xf32, #tpu.memory_space<vmem>>
    %dma_start3A_377 = arith.constant 1280 : i32
    %dma_start3A_378 = tpu.memref_slice %arg5[%dma_start3A_377] : memref<3328xi32, #tpu.memory_space<vmem>> -> memref<128xi32, #tpu.memory_space<vmem>>
    %dma_start3A_379 = arith.constant 0 : i32
    %dma_start3A_380 = arith.constant 0 : i32
    %dma_start3A_381 = tpu.memref_slice %arg3[%dma_start3A_379, %dma_start3A_380] : memref<2600000x64xf32, #tpu.memory_space<hbm>> -> memref<2600000x64xf32, #tpu.memory_space<hbm>>
    tpu.enqueue_indirect_dma source(%dma_start3A_381 : memref<2600000x64xf32, #tpu.memory_space<hbm>>) target(%dma_start3A_376 : memref<128x64xf32, #tpu.memory_space<vmem>>) offsets(%dma_start3A_378 : memref<128xi32, #tpu.memory_space<vmem>>) semaphore(%arg9 : memref<!tpu.dma_semaphore, #tpu.memory_space<semaphore_mem>>)
    %dma_wait3A_382 = arith.constant 3 : i32
    %dma_wait3A_383 = arith.constant 0 : i32
    %dma_wait3A_384 = arith.constant 0 : i32
    %dma_wait3A_385 = tpu.memref_slice %arg6[%dma_wait3A_382, %dma_wait3A_383, %dma_wait3A_384] : memref<4x128x64xf32, #tpu.memory_space<vmem>> -> memref<1x128x64xf32, #tpu.memory_space<vmem>>
    %dma_wait3A_386 = tpu.memref_squeeze %dma_wait3A_385 : memref<1x128x64xf32, #tpu.memory_space<vmem>> -> memref<128x64xf32, #tpu.memory_space<vmem>>
    %dma_wait3A_387 = arith.constant 896 : i32
    %dma_wait3A_388 = tpu.memref_slice %arg5[%dma_wait3A_387] : memref<3328xi32, #tpu.memory_space<vmem>> -> memref<128xi32, #tpu.memory_space<vmem>>
    %dma_wait3A_389 = arith.constant 0 : i32
    %dma_wait3A_390 = arith.constant 0 : i32
    %dma_wait3A_391 = tpu.memref_slice %arg3[%dma_wait3A_389, %dma_wait3A_390] : memref<2600000x64xf32, #tpu.memory_space<hbm>> -> memref<2600000x64xf32, #tpu.memory_space<hbm>>
    tpu.wait_indirect_dma semaphore(%arg10 : memref<!tpu.dma_semaphore, #tpu.memory_space<semaphore_mem>>) src(%dma_wait3A_391 : memref<2600000x64xf32, #tpu.memory_space<hbm>>) dst(%dma_wait3A_386 : memref<128x64xf32, #tpu.memory_space<vmem>>)
    %add3A_392 = arith.constant 896 : i32
    %add3A_393 = arith.addi %mul3A_2, %add3A_392 : i32
    %dma_start3A_394 = arith.constant 3 : i32
    %dma_start3A_395 = arith.constant 0 : i32
    %dma_start3A_396 = arith.constant 0 : i32
    %dma_start3A_397 = tpu.memref_slice %arg6[%dma_start3A_394, %dma_start3A_395, %dma_start3A_396] : memref<4x128x64xf32, #tpu.memory_space<vmem>> -> memref<1x128x64xf32, #tpu.memory_space<vmem>>
    %dma_start3A_398 = tpu.memref_squeeze %dma_start3A_397 : memref<1x128x64xf32, #tpu.memory_space<vmem>> -> memref<128x64xf32, #tpu.memory_space<vmem>>
    %dma_start3A_399 = arith.constant 0 : i32
    %dma_start3A_400 = tpu.memref_slice %arg4[%add3A_393, %dma_start3A_399] : memref<106496x64xf32, #tpu.memory_space<hbm>> -> memref<128x64xf32, #tpu.memory_space<hbm>>
    %dma_start3A_401 = arith.constant 0 : i32
    %dma_start3A_402 = tpu.memref_slice %arg4[%add3A_393, %dma_start3A_401] : memref<106496x64xf32, #tpu.memory_space<hbm>> -> memref<128x64xf32, #tpu.memory_space<hbm>>
    %dma_start3A_403 = arith.constant 0 : i32
    %dma_start3A_404 = arith.constant 0 : i32
    %dma_start3A_405 = tpu.memref_slice %arg6[%dma_start3A_394, %dma_start3A_403, %dma_start3A_404] : memref<4x128x64xf32, #tpu.memory_space<vmem>> -> memref<1x128x64xf32, #tpu.memory_space<vmem>>
    %dma_start3A_406 = tpu.memref_squeeze %dma_start3A_405 : memref<1x128x64xf32, #tpu.memory_space<vmem>> -> memref<128x64xf32, #tpu.memory_space<vmem>>
    tpu.enqueue_dma source(%dma_start3A_406 : memref<128x64xf32, #tpu.memory_space<vmem>>) target(%dma_start3A_402 : memref<128x64xf32, #tpu.memory_space<hbm>>) target_semaphore(%arg14 : memref<!tpu.dma_semaphore, #tpu.memory_space<semaphore_mem>>)
    %dma_wait3A_407 = arith.constant 3 : i32
    %dma_wait3A_408 = arith.constant 0 : i32
    %dma_wait3A_409 = arith.constant 0 : i32
    %dma_wait3A_410 = tpu.memref_slice %arg6[%dma_wait3A_407, %dma_wait3A_408, %dma_wait3A_409] : memref<4x128x64xf32, #tpu.memory_space<vmem>> -> memref<1x128x64xf32, #tpu.memory_space<vmem>>
    %dma_wait3A_411 = tpu.memref_squeeze %dma_wait3A_410 : memref<1x128x64xf32, #tpu.memory_space<vmem>> -> memref<128x64xf32, #tpu.memory_space<vmem>>
    %dma_wait3A_412 = arith.constant 0 : i32
    %dma_wait3A_413 = tpu.memref_slice %arg4[%add3A_393, %dma_wait3A_412] : memref<106496x64xf32, #tpu.memory_space<hbm>> -> memref<128x64xf32, #tpu.memory_space<hbm>>
    %dma_wait3A_414 = arith.constant 0 : i32
    %dma_wait3A_415 = tpu.memref_slice %arg4[%add3A_393, %dma_wait3A_414] : memref<106496x64xf32, #tpu.memory_space<hbm>> -> memref<128x64xf32, #tpu.memory_space<hbm>>
    %dma_wait3A_416 = arith.constant 0 : i32
    %dma_wait3A_417 = arith.constant 0 : i32
    %dma_wait3A_418 = tpu.memref_slice %arg6[%dma_wait3A_407, %dma_wait3A_416, %dma_wait3A_417] : memref<4x128x64xf32, #tpu.memory_space<vmem>> -> memref<1x128x64xf32, #tpu.memory_space<vmem>>
    %dma_wait3A_419 = tpu.memref_squeeze %dma_wait3A_418 : memref<1x128x64xf32, #tpu.memory_space<vmem>> -> memref<128x64xf32, #tpu.memory_space<vmem>>
    tpu.wait_dma2 semaphore(%arg14 : memref<!tpu.dma_semaphore, #tpu.memory_space<semaphore_mem>>) src(%dma_wait3A_419 : memref<128x64xf32, #tpu.memory_space<vmem>>) dst(%dma_wait3A_415 : memref<128x64xf32, #tpu.memory_space<hbm>>)
    %dma_start3A_420 = arith.constant 3 : i32
    %dma_start3A_421 = arith.constant 0 : i32
    %dma_start3A_422 = arith.constant 0 : i32
    %dma_start3A_423 = tpu.memref_slice %arg6[%dma_start3A_420, %dma_start3A_421, %dma_start3A_422] : memref<4x128x64xf32, #tpu.memory_space<vmem>> -> memref<1x128x64xf32, #tpu.memory_space<vmem>>
    %dma_start3A_424 = tpu.memref_squeeze %dma_start3A_423 : memref<1x128x64xf32, #tpu.memory_space<vmem>> -> memref<128x64xf32, #tpu.memory_space<vmem>>
    %dma_start3A_425 = arith.constant 1408 : i32
    %dma_start3A_426 = tpu.memref_slice %arg5[%dma_start3A_425] : memref<3328xi32, #tpu.memory_space<vmem>> -> memref<128xi32, #tpu.memory_space<vmem>>
    %dma_start3A_427 = arith.constant 0 : i32
    %dma_start3A_428 = arith.constant 0 : i32
    %dma_start3A_429 = tpu.memref_slice %arg3[%dma_start3A_427, %dma_start3A_428] : memref<2600000x64xf32, #tpu.memory_space<hbm>> -> memref<2600000x64xf32, #tpu.memory_space<hbm>>
    tpu.enqueue_indirect_dma source(%dma_start3A_429 : memref<2600000x64xf32, #tpu.memory_space<hbm>>) target(%dma_start3A_424 : memref<128x64xf32, #tpu.memory_space<vmem>>) offsets(%dma_start3A_426 : memref<128xi32, #tpu.memory_space<vmem>>) semaphore(%arg10 : memref<!tpu.dma_semaphore, #tpu.memory_space<semaphore_mem>>)
    %dma_wait3A_430 = arith.constant 0 : i32
    %dma_wait3A_431 = arith.constant 0 : i32
    %dma_wait3A_432 = arith.constant 0 : i32
    %dma_wait3A_433 = tpu.memref_slice %arg6[%dma_wait3A_430, %dma_wait3A_431, %dma_wait3A_432] : memref<4x128x64xf32, #tpu.memory_space<vmem>> -> memref<1x128x64xf32, #tpu.memory_space<vmem>>
    %dma_wait3A_434 = tpu.memref_squeeze %dma_wait3A_433 : memref<1x128x64xf32, #tpu.memory_space<vmem>> -> memref<128x64xf32, #tpu.memory_space<vmem>>
    %dma_wait3A_435 = arith.constant 1024 : i32
    %dma_wait3A_436 = tpu.memref_slice %arg5[%dma_wait3A_435] : memref<3328xi32, #tpu.memory_space<vmem>> -> memref<128xi32, #tpu.memory_space<vmem>>
    %dma_wait3A_437 = arith.constant 0 : i32
    %dma_wait3A_438 = arith.constant 0 : i32
    %dma_wait3A_439 = tpu.memref_slice %arg3[%dma_wait3A_437, %dma_wait3A_438] : memref<2600000x64xf32, #tpu.memory_space<hbm>> -> memref<2600000x64xf32, #tpu.memory_space<hbm>>
    tpu.wait_indirect_dma semaphore(%arg7 : memref<!tpu.dma_semaphore, #tpu.memory_space<semaphore_mem>>) src(%dma_wait3A_439 : memref<2600000x64xf32, #tpu.memory_space<hbm>>) dst(%dma_wait3A_434 : memref<128x64xf32, #tpu.memory_space<vmem>>)
    %add3A_440 = arith.constant 1024 : i32
    %add3A_441 = arith.addi %mul3A_2, %add3A_440 : i32
    %dma_start3A_442 = arith.constant 0 : i32
    %dma_start3A_443 = arith.constant 0 : i32
    %dma_start3A_444 = arith.constant 0 : i32
    %dma_start3A_445 = tpu.memref_slice %arg6[%dma_start3A_442, %dma_start3A_443, %dma_start3A_444] : memref<4x128x64xf32, #tpu.memory_space<vmem>> -> memref<1x128x64xf32, #tpu.memory_space<vmem>>
    %dma_start3A_446 = tpu.memref_squeeze %dma_start3A_445 : memref<1x128x64xf32, #tpu.memory_space<vmem>> -> memref<128x64xf32, #tpu.memory_space<vmem>>
    %dma_start3A_447 = arith.constant 0 : i32
    %dma_start3A_448 = tpu.memref_slice %arg4[%add3A_441, %dma_start3A_447] : memref<106496x64xf32, #tpu.memory_space<hbm>> -> memref<128x64xf32, #tpu.memory_space<hbm>>
    %dma_start3A_449 = arith.constant 0 : i32
    %dma_start3A_450 = tpu.memref_slice %arg4[%add3A_441, %dma_start3A_449] : memref<106496x64xf32, #tpu.memory_space<hbm>> -> memref<128x64xf32, #tpu.memory_space<hbm>>
    %dma_start3A_451 = arith.constant 0 : i32
    %dma_start3A_452 = arith.constant 0 : i32
    %dma_start3A_453 = tpu.memref_slice %arg6[%dma_start3A_442, %dma_start3A_451, %dma_start3A_452] : memref<4x128x64xf32, #tpu.memory_space<vmem>> -> memref<1x128x64xf32, #tpu.memory_space<vmem>>
    %dma_start3A_454 = tpu.memref_squeeze %dma_start3A_453 : memref<1x128x64xf32, #tpu.memory_space<vmem>> -> memref<128x64xf32, #tpu.memory_space<vmem>>
    tpu.enqueue_dma source(%dma_start3A_454 : memref<128x64xf32, #tpu.memory_space<vmem>>) target(%dma_start3A_450 : memref<128x64xf32, #tpu.memory_space<hbm>>) target_semaphore(%arg11 : memref<!tpu.dma_semaphore, #tpu.memory_space<semaphore_mem>>)
    %dma_wait3A_455 = arith.constant 0 : i32
    %dma_wait3A_456 = arith.constant 0 : i32
    %dma_wait3A_457 = arith.constant 0 : i32
    %dma_wait3A_458 = tpu.memref_slice %arg6[%dma_wait3A_455, %dma_wait3A_456, %dma_wait3A_457] : memref<4x128x64xf32, #tpu.memory_space<vmem>> -> memref<1x128x64xf32, #tpu.memory_space<vmem>>
    %dma_wait3A_459 = tpu.memref_squeeze %dma_wait3A_458 : memref<1x128x64xf32, #tpu.memory_space<vmem>> -> memref<128x64xf32, #tpu.memory_space<vmem>>
    %dma_wait3A_460 = arith.constant 0 : i32
    %dma_wait3A_461 = tpu.memref_slice %arg4[%add3A_441, %dma_wait3A_460] : memref<106496x64xf32, #tpu.memory_space<hbm>> -> memref<128x64xf32, #tpu.memory_space<hbm>>
    %dma_wait3A_462 = arith.constant 0 : i32
    %dma_wait3A_463 = tpu.memref_slice %arg4[%add3A_441, %dma_wait3A_462] : memref<106496x64xf32, #tpu.memory_space<hbm>> -> memref<128x64xf32, #tpu.memory_space<hbm>>
    %dma_wait3A_464 = arith.constant 0 : i32
    %dma_wait3A_465 = arith.constant 0 : i32
    %dma_wait3A_466 = tpu.memref_slice %arg6[%dma_wait3A_455, %dma_wait3A_464, %dma_wait3A_465] : memref<4x128x64xf32, #tpu.memory_space<vmem>> -> memref<1x128x64xf32, #tpu.memory_space<vmem>>
    %dma_wait3A_467 = tpu.memref_squeeze %dma_wait3A_466 : memref<1x128x64xf32, #tpu.memory_space<vmem>> -> memref<128x64xf32, #tpu.memory_space<vmem>>
    tpu.wait_dma2 semaphore(%arg11 : memref<!tpu.dma_semaphore, #tpu.memory_space<semaphore_mem>>) src(%dma_wait3A_467 : memref<128x64xf32, #tpu.memory_space<vmem>>) dst(%dma_wait3A_463 : memref<128x64xf32, #tpu.memory_space<hbm>>)
    %dma_start3A_468 = arith.constant 0 : i32
    %dma_start3A_469 = arith.constant 0 : i32
    %dma_start3A_470 = arith.constant 0 : i32
    %dma_start3A_471 = tpu.memref_slice %arg6[%dma_start3A_468, %dma_start3A_469, %dma_start3A_470] : memref<4x128x64xf32, #tpu.memory_space<vmem>> -> memref<1x128x64xf32, #tpu.memory_space<vmem>>
    %dma_start3A_472 = tpu.memref_squeeze %dma_start3A_471 : memref<1x128x64xf32, #tpu.memory_space<vmem>> -> memref<128x64xf32, #tpu.memory_space<vmem>>
    %dma_start3A_473 = arith.constant 1536 : i32
    %dma_start3A_474 = tpu.memref_slice %arg5[%dma_start3A_473] : memref<3328xi32, #tpu.memory_space<vmem>> -> memref<128xi32, #tpu.memory_space<vmem>>
    %dma_start3A_475 = arith.constant 0 : i32
    %dma_start3A_476 = arith.constant 0 : i32
    %dma_start3A_477 = tpu.memref_slice %arg3[%dma_start3A_475, %dma_start3A_476] : memref<2600000x64xf32, #tpu.memory_space<hbm>> -> memref<2600000x64xf32, #tpu.memory_space<hbm>>
    tpu.enqueue_indirect_dma source(%dma_start3A_477 : memref<2600000x64xf32, #tpu.memory_space<hbm>>) target(%dma_start3A_472 : memref<128x64xf32, #tpu.memory_space<vmem>>) offsets(%dma_start3A_474 : memref<128xi32, #tpu.memory_space<vmem>>) semaphore(%arg7 : memref<!tpu.dma_semaphore, #tpu.memory_space<semaphore_mem>>)
    %dma_wait3A_478 = arith.constant 1 : i32
    %dma_wait3A_479 = arith.constant 0 : i32
    %dma_wait3A_480 = arith.constant 0 : i32
    %dma_wait3A_481 = tpu.memref_slice %arg6[%dma_wait3A_478, %dma_wait3A_479, %dma_wait3A_480] : memref<4x128x64xf32, #tpu.memory_space<vmem>> -> memref<1x128x64xf32, #tpu.memory_space<vmem>>
    %dma_wait3A_482 = tpu.memref_squeeze %dma_wait3A_481 : memref<1x128x64xf32, #tpu.memory_space<vmem>> -> memref<128x64xf32, #tpu.memory_space<vmem>>
    %dma_wait3A_483 = arith.constant 1152 : i32
    %dma_wait3A_484 = tpu.memref_slice %arg5[%dma_wait3A_483] : memref<3328xi32, #tpu.memory_space<vmem>> -> memref<128xi32, #tpu.memory_space<vmem>>
    %dma_wait3A_485 = arith.constant 0 : i32
    %dma_wait3A_486 = arith.constant 0 : i32
    %dma_wait3A_487 = tpu.memref_slice %arg3[%dma_wait3A_485, %dma_wait3A_486] : memref<2600000x64xf32, #tpu.memory_space<hbm>> -> memref<2600000x64xf32, #tpu.memory_space<hbm>>
    tpu.wait_indirect_dma semaphore(%arg8 : memref<!tpu.dma_semaphore, #tpu.memory_space<semaphore_mem>>) src(%dma_wait3A_487 : memref<2600000x64xf32, #tpu.memory_space<hbm>>) dst(%dma_wait3A_482 : memref<128x64xf32, #tpu.memory_space<vmem>>)
    %add3A_488 = arith.constant 1152 : i32
    %add3A_489 = arith.addi %mul3A_2, %add3A_488 : i32
    %dma_start3A_490 = arith.constant 1 : i32
    %dma_start3A_491 = arith.constant 0 : i32
    %dma_start3A_492 = arith.constant 0 : i32
    %dma_start3A_493 = tpu.memref_slice %arg6[%dma_start3A_490, %dma_start3A_491, %dma_start3A_492] : memref<4x128x64xf32, #tpu.memory_space<vmem>> -> memref<1x128x64xf32, #tpu.memory_space<vmem>>
    %dma_start3A_494 = tpu.memref_squeeze %dma_start3A_493 : memref<1x128x64xf32, #tpu.memory_space<vmem>> -> memref<128x64xf32, #tpu.memory_space<vmem>>
    %dma_start3A_495 = arith.constant 0 : i32
    %dma_start3A_496 = tpu.memref_slice %arg4[%add3A_489, %dma_start3A_495] : memref<106496x64xf32, #tpu.memory_space<hbm>> -> memref<128x64xf32, #tpu.memory_space<hbm>>
    %dma_start3A_497 = arith.constant 0 : i32
    %dma_start3A_498 = tpu.memref_slice %arg4[%add3A_489, %dma_start3A_497] : memref<106496x64xf32, #tpu.memory_space<hbm>> -> memref<128x64xf32, #tpu.memory_space<hbm>>
    %dma_start3A_499 = arith.constant 0 : i32
    %dma_start3A_500 = arith.constant 0 : i32
    %dma_start3A_501 = tpu.memref_slice %arg6[%dma_start3A_490, %dma_start3A_499, %dma_start3A_500] : memref<4x128x64xf32, #tpu.memory_space<vmem>> -> memref<1x128x64xf32, #tpu.memory_space<vmem>>
    %dma_start3A_502 = tpu.memref_squeeze %dma_start3A_501 : memref<1x128x64xf32, #tpu.memory_space<vmem>> -> memref<128x64xf32, #tpu.memory_space<vmem>>
    tpu.enqueue_dma source(%dma_start3A_502 : memref<128x64xf32, #tpu.memory_space<vmem>>) target(%dma_start3A_498 : memref<128x64xf32, #tpu.memory_space<hbm>>) target_semaphore(%arg12 : memref<!tpu.dma_semaphore, #tpu.memory_space<semaphore_mem>>)
    %dma_wait3A_503 = arith.constant 1 : i32
    %dma_wait3A_504 = arith.constant 0 : i32
    %dma_wait3A_505 = arith.constant 0 : i32
    %dma_wait3A_506 = tpu.memref_slice %arg6[%dma_wait3A_503, %dma_wait3A_504, %dma_wait3A_505] : memref<4x128x64xf32, #tpu.memory_space<vmem>> -> memref<1x128x64xf32, #tpu.memory_space<vmem>>
    %dma_wait3A_507 = tpu.memref_squeeze %dma_wait3A_506 : memref<1x128x64xf32, #tpu.memory_space<vmem>> -> memref<128x64xf32, #tpu.memory_space<vmem>>
    %dma_wait3A_508 = arith.constant 0 : i32
    %dma_wait3A_509 = tpu.memref_slice %arg4[%add3A_489, %dma_wait3A_508] : memref<106496x64xf32, #tpu.memory_space<hbm>> -> memref<128x64xf32, #tpu.memory_space<hbm>>
    %dma_wait3A_510 = arith.constant 0 : i32
    %dma_wait3A_511 = tpu.memref_slice %arg4[%add3A_489, %dma_wait3A_510] : memref<106496x64xf32, #tpu.memory_space<hbm>> -> memref<128x64xf32, #tpu.memory_space<hbm>>
    %dma_wait3A_512 = arith.constant 0 : i32
    %dma_wait3A_513 = arith.constant 0 : i32
    %dma_wait3A_514 = tpu.memref_slice %arg6[%dma_wait3A_503, %dma_wait3A_512, %dma_wait3A_513] : memref<4x128x64xf32, #tpu.memory_space<vmem>> -> memref<1x128x64xf32, #tpu.memory_space<vmem>>
    %dma_wait3A_515 = tpu.memref_squeeze %dma_wait3A_514 : memref<1x128x64xf32, #tpu.memory_space<vmem>> -> memref<128x64xf32, #tpu.memory_space<vmem>>
    tpu.wait_dma2 semaphore(%arg12 : memref<!tpu.dma_semaphore, #tpu.memory_space<semaphore_mem>>) src(%dma_wait3A_515 : memref<128x64xf32, #tpu.memory_space<vmem>>) dst(%dma_wait3A_511 : memref<128x64xf32, #tpu.memory_space<hbm>>)
    %dma_start3A_516 = arith.constant 1 : i32
    %dma_start3A_517 = arith.constant 0 : i32
    %dma_start3A_518 = arith.constant 0 : i32
    %dma_start3A_519 = tpu.memref_slice %arg6[%dma_start3A_516, %dma_start3A_517, %dma_start3A_518] : memref<4x128x64xf32, #tpu.memory_space<vmem>> -> memref<1x128x64xf32, #tpu.memory_space<vmem>>
    %dma_start3A_520 = tpu.memref_squeeze %dma_start3A_519 : memref<1x128x64xf32, #tpu.memory_space<vmem>> -> memref<128x64xf32, #tpu.memory_space<vmem>>
    %dma_start3A_521 = arith.constant 1664 : i32
    %dma_start3A_522 = tpu.memref_slice %arg5[%dma_start3A_521] : memref<3328xi32, #tpu.memory_space<vmem>> -> memref<128xi32, #tpu.memory_space<vmem>>
    %dma_start3A_523 = arith.constant 0 : i32
    %dma_start3A_524 = arith.constant 0 : i32
    %dma_start3A_525 = tpu.memref_slice %arg3[%dma_start3A_523, %dma_start3A_524] : memref<2600000x64xf32, #tpu.memory_space<hbm>> -> memref<2600000x64xf32, #tpu.memory_space<hbm>>
    tpu.enqueue_indirect_dma source(%dma_start3A_525 : memref<2600000x64xf32, #tpu.memory_space<hbm>>) target(%dma_start3A_520 : memref<128x64xf32, #tpu.memory_space<vmem>>) offsets(%dma_start3A_522 : memref<128xi32, #tpu.memory_space<vmem>>) semaphore(%arg8 : memref<!tpu.dma_semaphore, #tpu.memory_space<semaphore_mem>>)
    %dma_wait3A_526 = arith.constant 2 : i32
    %dma_wait3A_527 = arith.constant 0 : i32
    %dma_wait3A_528 = arith.constant 0 : i32
    %dma_wait3A_529 = tpu.memref_slice %arg6[%dma_wait3A_526, %dma_wait3A_527, %dma_wait3A_528] : memref<4x128x64xf32, #tpu.memory_space<vmem>> -> memref<1x128x64xf32, #tpu.memory_space<vmem>>
    %dma_wait3A_530 = tpu.memref_squeeze %dma_wait3A_529 : memref<1x128x64xf32, #tpu.memory_space<vmem>> -> memref<128x64xf32, #tpu.memory_space<vmem>>
    %dma_wait3A_531 = arith.constant 1280 : i32
    %dma_wait3A_532 = tpu.memref_slice %arg5[%dma_wait3A_531] : memref<3328xi32, #tpu.memory_space<vmem>> -> memref<128xi32, #tpu.memory_space<vmem>>
    %dma_wait3A_533 = arith.constant 0 : i32
    %dma_wait3A_534 = arith.constant 0 : i32
    %dma_wait3A_535 = tpu.memref_slice %arg3[%dma_wait3A_533, %dma_wait3A_534] : memref<2600000x64xf32, #tpu.memory_space<hbm>> -> memref<2600000x64xf32, #tpu.memory_space<hbm>>
    tpu.wait_indirect_dma semaphore(%arg9 : memref<!tpu.dma_semaphore, #tpu.memory_space<semaphore_mem>>) src(%dma_wait3A_535 : memref<2600000x64xf32, #tpu.memory_space<hbm>>) dst(%dma_wait3A_530 : memref<128x64xf32, #tpu.memory_space<vmem>>)
    %add3A_536 = arith.constant 1280 : i32
    %add3A_537 = arith.addi %mul3A_2, %add3A_536 : i32
    %dma_start3A_538 = arith.constant 2 : i32
    %dma_start3A_539 = arith.constant 0 : i32
    %dma_start3A_540 = arith.constant 0 : i32
    %dma_start3A_541 = tpu.memref_slice %arg6[%dma_start3A_538, %dma_start3A_539, %dma_start3A_540] : memref<4x128x64xf32, #tpu.memory_space<vmem>> -> memref<1x128x64xf32, #tpu.memory_space<vmem>>
    %dma_start3A_542 = tpu.memref_squeeze %dma_start3A_541 : memref<1x128x64xf32, #tpu.memory_space<vmem>> -> memref<128x64xf32, #tpu.memory_space<vmem>>
    %dma_start3A_543 = arith.constant 0 : i32
    %dma_start3A_544 = tpu.memref_slice %arg4[%add3A_537, %dma_start3A_543] : memref<106496x64xf32, #tpu.memory_space<hbm>> -> memref<128x64xf32, #tpu.memory_space<hbm>>
    %dma_start3A_545 = arith.constant 0 : i32
    %dma_start3A_546 = tpu.memref_slice %arg4[%add3A_537, %dma_start3A_545] : memref<106496x64xf32, #tpu.memory_space<hbm>> -> memref<128x64xf32, #tpu.memory_space<hbm>>
    %dma_start3A_547 = arith.constant 0 : i32
    %dma_start3A_548 = arith.constant 0 : i32
    %dma_start3A_549 = tpu.memref_slice %arg6[%dma_start3A_538, %dma_start3A_547, %dma_start3A_548] : memref<4x128x64xf32, #tpu.memory_space<vmem>> -> memref<1x128x64xf32, #tpu.memory_space<vmem>>
    %dma_start3A_550 = tpu.memref_squeeze %dma_start3A_549 : memref<1x128x64xf32, #tpu.memory_space<vmem>> -> memref<128x64xf32, #tpu.memory_space<vmem>>
    tpu.enqueue_dma source(%dma_start3A_550 : memref<128x64xf32, #tpu.memory_space<vmem>>) target(%dma_start3A_546 : memref<128x64xf32, #tpu.memory_space<hbm>>) target_semaphore(%arg13 : memref<!tpu.dma_semaphore, #tpu.memory_space<semaphore_mem>>)
    %dma_wait3A_551 = arith.constant 2 : i32
    %dma_wait3A_552 = arith.constant 0 : i32
    %dma_wait3A_553 = arith.constant 0 : i32
    %dma_wait3A_554 = tpu.memref_slice %arg6[%dma_wait3A_551, %dma_wait3A_552, %dma_wait3A_553] : memref<4x128x64xf32, #tpu.memory_space<vmem>> -> memref<1x128x64xf32, #tpu.memory_space<vmem>>
    %dma_wait3A_555 = tpu.memref_squeeze %dma_wait3A_554 : memref<1x128x64xf32, #tpu.memory_space<vmem>> -> memref<128x64xf32, #tpu.memory_space<vmem>>
    %dma_wait3A_556 = arith.constant 0 : i32
    %dma_wait3A_557 = tpu.memref_slice %arg4[%add3A_537, %dma_wait3A_556] : memref<106496x64xf32, #tpu.memory_space<hbm>> -> memref<128x64xf32, #tpu.memory_space<hbm>>
    %dma_wait3A_558 = arith.constant 0 : i32
    %dma_wait3A_559 = tpu.memref_slice %arg4[%add3A_537, %dma_wait3A_558] : memref<106496x64xf32, #tpu.memory_space<hbm>> -> memref<128x64xf32, #tpu.memory_space<hbm>>
    %dma_wait3A_560 = arith.constant 0 : i32
    %dma_wait3A_561 = arith.constant 0 : i32
    %dma_wait3A_562 = tpu.memref_slice %arg6[%dma_wait3A_551, %dma_wait3A_560, %dma_wait3A_561] : memref<4x128x64xf32, #tpu.memory_space<vmem>> -> memref<1x128x64xf32, #tpu.memory_space<vmem>>
    %dma_wait3A_563 = tpu.memref_squeeze %dma_wait3A_562 : memref<1x128x64xf32, #tpu.memory_space<vmem>> -> memref<128x64xf32, #tpu.memory_space<vmem>>
    tpu.wait_dma2 semaphore(%arg13 : memref<!tpu.dma_semaphore, #tpu.memory_space<semaphore_mem>>) src(%dma_wait3A_563 : memref<128x64xf32, #tpu.memory_space<vmem>>) dst(%dma_wait3A_559 : memref<128x64xf32, #tpu.memory_space<hbm>>)
    %dma_start3A_564 = arith.constant 2 : i32
    %dma_start3A_565 = arith.constant 0 : i32
    %dma_start3A_566 = arith.constant 0 : i32
    %dma_start3A_567 = tpu.memref_slice %arg6[%dma_start3A_564, %dma_start3A_565, %dma_start3A_566] : memref<4x128x64xf32, #tpu.memory_space<vmem>> -> memref<1x128x64xf32, #tpu.memory_space<vmem>>
    %dma_start3A_568 = tpu.memref_squeeze %dma_start3A_567 : memref<1x128x64xf32, #tpu.memory_space<vmem>> -> memref<128x64xf32, #tpu.memory_space<vmem>>
    %dma_start3A_569 = arith.constant 1792 : i32
    %dma_start3A_570 = tpu.memref_slice %arg5[%dma_start3A_569] : memref<3328xi32, #tpu.memory_space<vmem>> -> memref<128xi32, #tpu.memory_space<vmem>>
    %dma_start3A_571 = arith.constant 0 : i32
    %dma_start3A_572 = arith.constant 0 : i32
    %dma_start3A_573 = tpu.memref_slice %arg3[%dma_start3A_571, %dma_start3A_572] : memref<2600000x64xf32, #tpu.memory_space<hbm>> -> memref<2600000x64xf32, #tpu.memory_space<hbm>>
    tpu.enqueue_indirect_dma source(%dma_start3A_573 : memref<2600000x64xf32, #tpu.memory_space<hbm>>) target(%dma_start3A_568 : memref<128x64xf32, #tpu.memory_space<vmem>>) offsets(%dma_start3A_570 : memref<128xi32, #tpu.memory_space<vmem>>) semaphore(%arg9 : memref<!tpu.dma_semaphore, #tpu.memory_space<semaphore_mem>>)
    %dma_wait3A_574 = arith.constant 3 : i32
    %dma_wait3A_575 = arith.constant 0 : i32
    %dma_wait3A_576 = arith.constant 0 : i32
    %dma_wait3A_577 = tpu.memref_slice %arg6[%dma_wait3A_574, %dma_wait3A_575, %dma_wait3A_576] : memref<4x128x64xf32, #tpu.memory_space<vmem>> -> memref<1x128x64xf32, #tpu.memory_space<vmem>>
    %dma_wait3A_578 = tpu.memref_squeeze %dma_wait3A_577 : memref<1x128x64xf32, #tpu.memory_space<vmem>> -> memref<128x64xf32, #tpu.memory_space<vmem>>
    %dma_wait3A_579 = arith.constant 1408 : i32
    %dma_wait3A_580 = tpu.memref_slice %arg5[%dma_wait3A_579] : memref<3328xi32, #tpu.memory_space<vmem>> -> memref<128xi32, #tpu.memory_space<vmem>>
    %dma_wait3A_581 = arith.constant 0 : i32
    %dma_wait3A_582 = arith.constant 0 : i32
    %dma_wait3A_583 = tpu.memref_slice %arg3[%dma_wait3A_581, %dma_wait3A_582] : memref<2600000x64xf32, #tpu.memory_space<hbm>> -> memref<2600000x64xf32, #tpu.memory_space<hbm>>
    tpu.wait_indirect_dma semaphore(%arg10 : memref<!tpu.dma_semaphore, #tpu.memory_space<semaphore_mem>>) src(%dma_wait3A_583 : memref<2600000x64xf32, #tpu.memory_space<hbm>>) dst(%dma_wait3A_578 : memref<128x64xf32, #tpu.memory_space<vmem>>)
    %add3A_584 = arith.constant 1408 : i32
    %add3A_585 = arith.addi %mul3A_2, %add3A_584 : i32
    %dma_start3A_586 = arith.constant 3 : i32
    %dma_start3A_587 = arith.constant 0 : i32
    %dma_start3A_588 = arith.constant 0 : i32
    %dma_start3A_589 = tpu.memref_slice %arg6[%dma_start3A_586, %dma_start3A_587, %dma_start3A_588] : memref<4x128x64xf32, #tpu.memory_space<vmem>> -> memref<1x128x64xf32, #tpu.memory_space<vmem>>
    %dma_start3A_590 = tpu.memref_squeeze %dma_start3A_589 : memref<1x128x64xf32, #tpu.memory_space<vmem>> -> memref<128x64xf32, #tpu.memory_space<vmem>>
    %dma_start3A_591 = arith.constant 0 : i32
    %dma_start3A_592 = tpu.memref_slice %arg4[%add3A_585, %dma_start3A_591] : memref<106496x64xf32, #tpu.memory_space<hbm>> -> memref<128x64xf32, #tpu.memory_space<hbm>>
    %dma_start3A_593 = arith.constant 0 : i32
    %dma_start3A_594 = tpu.memref_slice %arg4[%add3A_585, %dma_start3A_593] : memref<106496x64xf32, #tpu.memory_space<hbm>> -> memref<128x64xf32, #tpu.memory_space<hbm>>
    %dma_start3A_595 = arith.constant 0 : i32
    %dma_start3A_596 = arith.constant 0 : i32
    %dma_start3A_597 = tpu.memref_slice %arg6[%dma_start3A_586, %dma_start3A_595, %dma_start3A_596] : memref<4x128x64xf32, #tpu.memory_space<vmem>> -> memref<1x128x64xf32, #tpu.memory_space<vmem>>
    %dma_start3A_598 = tpu.memref_squeeze %dma_start3A_597 : memref<1x128x64xf32, #tpu.memory_space<vmem>> -> memref<128x64xf32, #tpu.memory_space<vmem>>
    tpu.enqueue_dma source(%dma_start3A_598 : memref<128x64xf32, #tpu.memory_space<vmem>>) target(%dma_start3A_594 : memref<128x64xf32, #tpu.memory_space<hbm>>) target_semaphore(%arg14 : memref<!tpu.dma_semaphore, #tpu.memory_space<semaphore_mem>>)
    %dma_wait3A_599 = arith.constant 3 : i32
    %dma_wait3A_600 = arith.constant 0 : i32
    %dma_wait3A_601 = arith.constant 0 : i32
    %dma_wait3A_602 = tpu.memref_slice %arg6[%dma_wait3A_599, %dma_wait3A_600, %dma_wait3A_601] : memref<4x128x64xf32, #tpu.memory_space<vmem>> -> memref<1x128x64xf32, #tpu.memory_space<vmem>>
    %dma_wait3A_603 = tpu.memref_squeeze %dma_wait3A_602 : memref<1x128x64xf32, #tpu.memory_space<vmem>> -> memref<128x64xf32, #tpu.memory_space<vmem>>
    %dma_wait3A_604 = arith.constant 0 : i32
    %dma_wait3A_605 = tpu.memref_slice %arg4[%add3A_585, %dma_wait3A_604] : memref<106496x64xf32, #tpu.memory_space<hbm>> -> memref<128x64xf32, #tpu.memory_space<hbm>>
    %dma_wait3A_606 = arith.constant 0 : i32
    %dma_wait3A_607 = tpu.memref_slice %arg4[%add3A_585, %dma_wait3A_606] : memref<106496x64xf32, #tpu.memory_space<hbm>> -> memref<128x64xf32, #tpu.memory_space<hbm>>
    %dma_wait3A_608 = arith.constant 0 : i32
    %dma_wait3A_609 = arith.constant 0 : i32
    %dma_wait3A_610 = tpu.memref_slice %arg6[%dma_wait3A_599, %dma_wait3A_608, %dma_wait3A_609] : memref<4x128x64xf32, #tpu.memory_space<vmem>> -> memref<1x128x64xf32, #tpu.memory_space<vmem>>
    %dma_wait3A_611 = tpu.memref_squeeze %dma_wait3A_610 : memref<1x128x64xf32, #tpu.memory_space<vmem>> -> memref<128x64xf32, #tpu.memory_space<vmem>>
    tpu.wait_dma2 semaphore(%arg14 : memref<!tpu.dma_semaphore, #tpu.memory_space<semaphore_mem>>) src(%dma_wait3A_611 : memref<128x64xf32, #tpu.memory_space<vmem>>) dst(%dma_wait3A_607 : memref<128x64xf32, #tpu.memory_space<hbm>>)
    %dma_start3A_612 = arith.constant 3 : i32
    %dma_start3A_613 = arith.constant 0 : i32
    %dma_start3A_614 = arith.constant 0 : i32
    %dma_start3A_615 = tpu.memref_slice %arg6[%dma_start3A_612, %dma_start3A_613, %dma_start3A_614] : memref<4x128x64xf32, #tpu.memory_space<vmem>> -> memref<1x128x64xf32, #tpu.memory_space<vmem>>
    %dma_start3A_616 = tpu.memref_squeeze %dma_start3A_615 : memref<1x128x64xf32, #tpu.memory_space<vmem>> -> memref<128x64xf32, #tpu.memory_space<vmem>>
    %dma_start3A_617 = arith.constant 1920 : i32
    %dma_start3A_618 = tpu.memref_slice %arg5[%dma_start3A_617] : memref<3328xi32, #tpu.memory_space<vmem>> -> memref<128xi32, #tpu.memory_space<vmem>>
    %dma_start3A_619 = arith.constant 0 : i32
    %dma_start3A_620 = arith.constant 0 : i32
    %dma_start3A_621 = tpu.memref_slice %arg3[%dma_start3A_619, %dma_start3A_620] : memref<2600000x64xf32, #tpu.memory_space<hbm>> -> memref<2600000x64xf32, #tpu.memory_space<hbm>>
    tpu.enqueue_indirect_dma source(%dma_start3A_621 : memref<2600000x64xf32, #tpu.memory_space<hbm>>) target(%dma_start3A_616 : memref<128x64xf32, #tpu.memory_space<vmem>>) offsets(%dma_start3A_618 : memref<128xi32, #tpu.memory_space<vmem>>) semaphore(%arg10 : memref<!tpu.dma_semaphore, #tpu.memory_space<semaphore_mem>>)
    %dma_wait3A_622 = arith.constant 0 : i32
    %dma_wait3A_623 = arith.constant 0 : i32
    %dma_wait3A_624 = arith.constant 0 : i32
    %dma_wait3A_625 = tpu.memref_slice %arg6[%dma_wait3A_622, %dma_wait3A_623, %dma_wait3A_624] : memref<4x128x64xf32, #tpu.memory_space<vmem>> -> memref<1x128x64xf32, #tpu.memory_space<vmem>>
    %dma_wait3A_626 = tpu.memref_squeeze %dma_wait3A_625 : memref<1x128x64xf32, #tpu.memory_space<vmem>> -> memref<128x64xf32, #tpu.memory_space<vmem>>
    %dma_wait3A_627 = arith.constant 1536 : i32
    %dma_wait3A_628 = tpu.memref_slice %arg5[%dma_wait3A_627] : memref<3328xi32, #tpu.memory_space<vmem>> -> memref<128xi32, #tpu.memory_space<vmem>>
    %dma_wait3A_629 = arith.constant 0 : i32
    %dma_wait3A_630 = arith.constant 0 : i32
    %dma_wait3A_631 = tpu.memref_slice %arg3[%dma_wait3A_629, %dma_wait3A_630] : memref<2600000x64xf32, #tpu.memory_space<hbm>> -> memref<2600000x64xf32, #tpu.memory_space<hbm>>
    tpu.wait_indirect_dma semaphore(%arg7 : memref<!tpu.dma_semaphore, #tpu.memory_space<semaphore_mem>>) src(%dma_wait3A_631 : memref<2600000x64xf32, #tpu.memory_space<hbm>>) dst(%dma_wait3A_626 : memref<128x64xf32, #tpu.memory_space<vmem>>)
    %add3A_632 = arith.constant 1536 : i32
    %add3A_633 = arith.addi %mul3A_2, %add3A_632 : i32
    %dma_start3A_634 = arith.constant 0 : i32
    %dma_start3A_635 = arith.constant 0 : i32
    %dma_start3A_636 = arith.constant 0 : i32
    %dma_start3A_637 = tpu.memref_slice %arg6[%dma_start3A_634, %dma_start3A_635, %dma_start3A_636] : memref<4x128x64xf32, #tpu.memory_space<vmem>> -> memref<1x128x64xf32, #tpu.memory_space<vmem>>
    %dma_start3A_638 = tpu.memref_squeeze %dma_start3A_637 : memref<1x128x64xf32, #tpu.memory_space<vmem>> -> memref<128x64xf32, #tpu.memory_space<vmem>>
    %dma_start3A_639 = arith.constant 0 : i32
    %dma_start3A_640 = tpu.memref_slice %arg4[%add3A_633, %dma_start3A_639] : memref<106496x64xf32, #tpu.memory_space<hbm>> -> memref<128x64xf32, #tpu.memory_space<hbm>>
    %dma_start3A_641 = arith.constant 0 : i32
    %dma_start3A_642 = tpu.memref_slice %arg4[%add3A_633, %dma_start3A_641] : memref<106496x64xf32, #tpu.memory_space<hbm>> -> memref<128x64xf32, #tpu.memory_space<hbm>>
    %dma_start3A_643 = arith.constant 0 : i32
    %dma_start3A_644 = arith.constant 0 : i32
    %dma_start3A_645 = tpu.memref_slice %arg6[%dma_start3A_634, %dma_start3A_643, %dma_start3A_644] : memref<4x128x64xf32, #tpu.memory_space<vmem>> -> memref<1x128x64xf32, #tpu.memory_space<vmem>>
    %dma_start3A_646 = tpu.memref_squeeze %dma_start3A_645 : memref<1x128x64xf32, #tpu.memory_space<vmem>> -> memref<128x64xf32, #tpu.memory_space<vmem>>
    tpu.enqueue_dma source(%dma_start3A_646 : memref<128x64xf32, #tpu.memory_space<vmem>>) target(%dma_start3A_642 : memref<128x64xf32, #tpu.memory_space<hbm>>) target_semaphore(%arg11 : memref<!tpu.dma_semaphore, #tpu.memory_space<semaphore_mem>>)
    %dma_wait3A_647 = arith.constant 0 : i32
    %dma_wait3A_648 = arith.constant 0 : i32
    %dma_wait3A_649 = arith.constant 0 : i32
    %dma_wait3A_650 = tpu.memref_slice %arg6[%dma_wait3A_647, %dma_wait3A_648, %dma_wait3A_649] : memref<4x128x64xf32, #tpu.memory_space<vmem>> -> memref<1x128x64xf32, #tpu.memory_space<vmem>>
    %dma_wait3A_651 = tpu.memref_squeeze %dma_wait3A_650 : memref<1x128x64xf32, #tpu.memory_space<vmem>> -> memref<128x64xf32, #tpu.memory_space<vmem>>
    %dma_wait3A_652 = arith.constant 0 : i32
    %dma_wait3A_653 = tpu.memref_slice %arg4[%add3A_633, %dma_wait3A_652] : memref<106496x64xf32, #tpu.memory_space<hbm>> -> memref<128x64xf32, #tpu.memory_space<hbm>>
    %dma_wait3A_654 = arith.constant 0 : i32
    %dma_wait3A_655 = tpu.memref_slice %arg4[%add3A_633, %dma_wait3A_654] : memref<106496x64xf32, #tpu.memory_space<hbm>> -> memref<128x64xf32, #tpu.memory_space<hbm>>
    %dma_wait3A_656 = arith.constant 0 : i32
    %dma_wait3A_657 = arith.constant 0 : i32
    %dma_wait3A_658 = tpu.memref_slice %arg6[%dma_wait3A_647, %dma_wait3A_656, %dma_wait3A_657] : memref<4x128x64xf32, #tpu.memory_space<vmem>> -> memref<1x128x64xf32, #tpu.memory_space<vmem>>
    %dma_wait3A_659 = tpu.memref_squeeze %dma_wait3A_658 : memref<1x128x64xf32, #tpu.memory_space<vmem>> -> memref<128x64xf32, #tpu.memory_space<vmem>>
    tpu.wait_dma2 semaphore(%arg11 : memref<!tpu.dma_semaphore, #tpu.memory_space<semaphore_mem>>) src(%dma_wait3A_659 : memref<128x64xf32, #tpu.memory_space<vmem>>) dst(%dma_wait3A_655 : memref<128x64xf32, #tpu.memory_space<hbm>>)
    %dma_start3A_660 = arith.constant 0 : i32
    %dma_start3A_661 = arith.constant 0 : i32
    %dma_start3A_662 = arith.constant 0 : i32
    %dma_start3A_663 = tpu.memref_slice %arg6[%dma_start3A_660, %dma_start3A_661, %dma_start3A_662] : memref<4x128x64xf32, #tpu.memory_space<vmem>> -> memref<1x128x64xf32, #tpu.memory_space<vmem>>
    %dma_start3A_664 = tpu.memref_squeeze %dma_start3A_663 : memref<1x128x64xf32, #tpu.memory_space<vmem>> -> memref<128x64xf32, #tpu.memory_space<vmem>>
    %dma_start3A_665 = arith.constant 2048 : i32
    %dma_start3A_666 = tpu.memref_slice %arg5[%dma_start3A_665] : memref<3328xi32, #tpu.memory_space<vmem>> -> memref<128xi32, #tpu.memory_space<vmem>>
    %dma_start3A_667 = arith.constant 0 : i32
    %dma_start3A_668 = arith.constant 0 : i32
    %dma_start3A_669 = tpu.memref_slice %arg3[%dma_start3A_667, %dma_start3A_668] : memref<2600000x64xf32, #tpu.memory_space<hbm>> -> memref<2600000x64xf32, #tpu.memory_space<hbm>>
    tpu.enqueue_indirect_dma source(%dma_start3A_669 : memref<2600000x64xf32, #tpu.memory_space<hbm>>) target(%dma_start3A_664 : memref<128x64xf32, #tpu.memory_space<vmem>>) offsets(%dma_start3A_666 : memref<128xi32, #tpu.memory_space<vmem>>) semaphore(%arg7 : memref<!tpu.dma_semaphore, #tpu.memory_space<semaphore_mem>>)
    %dma_wait3A_670 = arith.constant 1 : i32
    %dma_wait3A_671 = arith.constant 0 : i32
    %dma_wait3A_672 = arith.constant 0 : i32
    %dma_wait3A_673 = tpu.memref_slice %arg6[%dma_wait3A_670, %dma_wait3A_671, %dma_wait3A_672] : memref<4x128x64xf32, #tpu.memory_space<vmem>> -> memref<1x128x64xf32, #tpu.memory_space<vmem>>
    %dma_wait3A_674 = tpu.memref_squeeze %dma_wait3A_673 : memref<1x128x64xf32, #tpu.memory_space<vmem>> -> memref<128x64xf32, #tpu.memory_space<vmem>>
    %dma_wait3A_675 = arith.constant 1664 : i32
    %dma_wait3A_676 = tpu.memref_slice %arg5[%dma_wait3A_675] : memref<3328xi32, #tpu.memory_space<vmem>> -> memref<128xi32, #tpu.memory_space<vmem>>
    %dma_wait3A_677 = arith.constant 0 : i32
    %dma_wait3A_678 = arith.constant 0 : i32
    %dma_wait3A_679 = tpu.memref_slice %arg3[%dma_wait3A_677, %dma_wait3A_678] : memref<2600000x64xf32, #tpu.memory_space<hbm>> -> memref<2600000x64xf32, #tpu.memory_space<hbm>>
    tpu.wait_indirect_dma semaphore(%arg8 : memref<!tpu.dma_semaphore, #tpu.memory_space<semaphore_mem>>) src(%dma_wait3A_679 : memref<2600000x64xf32, #tpu.memory_space<hbm>>) dst(%dma_wait3A_674 : memref<128x64xf32, #tpu.memory_space<vmem>>)
    %add3A_680 = arith.constant 1664 : i32
    %add3A_681 = arith.addi %mul3A_2, %add3A_680 : i32
    %dma_start3A_682 = arith.constant 1 : i32
    %dma_start3A_683 = arith.constant 0 : i32
    %dma_start3A_684 = arith.constant 0 : i32
    %dma_start3A_685 = tpu.memref_slice %arg6[%dma_start3A_682, %dma_start3A_683, %dma_start3A_684] : memref<4x128x64xf32, #tpu.memory_space<vmem>> -> memref<1x128x64xf32, #tpu.memory_space<vmem>>
    %dma_start3A_686 = tpu.memref_squeeze %dma_start3A_685 : memref<1x128x64xf32, #tpu.memory_space<vmem>> -> memref<128x64xf32, #tpu.memory_space<vmem>>
    %dma_start3A_687 = arith.constant 0 : i32
    %dma_start3A_688 = tpu.memref_slice %arg4[%add3A_681, %dma_start3A_687] : memref<106496x64xf32, #tpu.memory_space<hbm>> -> memref<128x64xf32, #tpu.memory_space<hbm>>
    %dma_start3A_689 = arith.constant 0 : i32
    %dma_start3A_690 = tpu.memref_slice %arg4[%add3A_681, %dma_start3A_689] : memref<106496x64xf32, #tpu.memory_space<hbm>> -> memref<128x64xf32, #tpu.memory_space<hbm>>
    %dma_start3A_691 = arith.constant 0 : i32
    %dma_start3A_692 = arith.constant 0 : i32
    %dma_start3A_693 = tpu.memref_slice %arg6[%dma_start3A_682, %dma_start3A_691, %dma_start3A_692] : memref<4x128x64xf32, #tpu.memory_space<vmem>> -> memref<1x128x64xf32, #tpu.memory_space<vmem>>
    %dma_start3A_694 = tpu.memref_squeeze %dma_start3A_693 : memref<1x128x64xf32, #tpu.memory_space<vmem>> -> memref<128x64xf32, #tpu.memory_space<vmem>>
    tpu.enqueue_dma source(%dma_start3A_694 : memref<128x64xf32, #tpu.memory_space<vmem>>) target(%dma_start3A_690 : memref<128x64xf32, #tpu.memory_space<hbm>>) target_semaphore(%arg12 : memref<!tpu.dma_semaphore, #tpu.memory_space<semaphore_mem>>)
    %dma_wait3A_695 = arith.constant 1 : i32
    %dma_wait3A_696 = arith.constant 0 : i32
    %dma_wait3A_697 = arith.constant 0 : i32
    %dma_wait3A_698 = tpu.memref_slice %arg6[%dma_wait3A_695, %dma_wait3A_696, %dma_wait3A_697] : memref<4x128x64xf32, #tpu.memory_space<vmem>> -> memref<1x128x64xf32, #tpu.memory_space<vmem>>
    %dma_wait3A_699 = tpu.memref_squeeze %dma_wait3A_698 : memref<1x128x64xf32, #tpu.memory_space<vmem>> -> memref<128x64xf32, #tpu.memory_space<vmem>>
    %dma_wait3A_700 = arith.constant 0 : i32
    %dma_wait3A_701 = tpu.memref_slice %arg4[%add3A_681, %dma_wait3A_700] : memref<106496x64xf32, #tpu.memory_space<hbm>> -> memref<128x64xf32, #tpu.memory_space<hbm>>
    %dma_wait3A_702 = arith.constant 0 : i32
    %dma_wait3A_703 = tpu.memref_slice %arg4[%add3A_681, %dma_wait3A_702] : memref<106496x64xf32, #tpu.memory_space<hbm>> -> memref<128x64xf32, #tpu.memory_space<hbm>>
    %dma_wait3A_704 = arith.constant 0 : i32
    %dma_wait3A_705 = arith.constant 0 : i32
    %dma_wait3A_706 = tpu.memref_slice %arg6[%dma_wait3A_695, %dma_wait3A_704, %dma_wait3A_705] : memref<4x128x64xf32, #tpu.memory_space<vmem>> -> memref<1x128x64xf32, #tpu.memory_space<vmem>>
    %dma_wait3A_707 = tpu.memref_squeeze %dma_wait3A_706 : memref<1x128x64xf32, #tpu.memory_space<vmem>> -> memref<128x64xf32, #tpu.memory_space<vmem>>
    tpu.wait_dma2 semaphore(%arg12 : memref<!tpu.dma_semaphore, #tpu.memory_space<semaphore_mem>>) src(%dma_wait3A_707 : memref<128x64xf32, #tpu.memory_space<vmem>>) dst(%dma_wait3A_703 : memref<128x64xf32, #tpu.memory_space<hbm>>)
    %dma_start3A_708 = arith.constant 1 : i32
    %dma_start3A_709 = arith.constant 0 : i32
    %dma_start3A_710 = arith.constant 0 : i32
    %dma_start3A_711 = tpu.memref_slice %arg6[%dma_start3A_708, %dma_start3A_709, %dma_start3A_710] : memref<4x128x64xf32, #tpu.memory_space<vmem>> -> memref<1x128x64xf32, #tpu.memory_space<vmem>>
    %dma_start3A_712 = tpu.memref_squeeze %dma_start3A_711 : memref<1x128x64xf32, #tpu.memory_space<vmem>> -> memref<128x64xf32, #tpu.memory_space<vmem>>
    %dma_start3A_713 = arith.constant 2176 : i32
    %dma_start3A_714 = tpu.memref_slice %arg5[%dma_start3A_713] : memref<3328xi32, #tpu.memory_space<vmem>> -> memref<128xi32, #tpu.memory_space<vmem>>
    %dma_start3A_715 = arith.constant 0 : i32
    %dma_start3A_716 = arith.constant 0 : i32
    %dma_start3A_717 = tpu.memref_slice %arg3[%dma_start3A_715, %dma_start3A_716] : memref<2600000x64xf32, #tpu.memory_space<hbm>> -> memref<2600000x64xf32, #tpu.memory_space<hbm>>
    tpu.enqueue_indirect_dma source(%dma_start3A_717 : memref<2600000x64xf32, #tpu.memory_space<hbm>>) target(%dma_start3A_712 : memref<128x64xf32, #tpu.memory_space<vmem>>) offsets(%dma_start3A_714 : memref<128xi32, #tpu.memory_space<vmem>>) semaphore(%arg8 : memref<!tpu.dma_semaphore, #tpu.memory_space<semaphore_mem>>)
    %dma_wait3A_718 = arith.constant 2 : i32
    %dma_wait3A_719 = arith.constant 0 : i32
    %dma_wait3A_720 = arith.constant 0 : i32
    %dma_wait3A_721 = tpu.memref_slice %arg6[%dma_wait3A_718, %dma_wait3A_719, %dma_wait3A_720] : memref<4x128x64xf32, #tpu.memory_space<vmem>> -> memref<1x128x64xf32, #tpu.memory_space<vmem>>
    %dma_wait3A_722 = tpu.memref_squeeze %dma_wait3A_721 : memref<1x128x64xf32, #tpu.memory_space<vmem>> -> memref<128x64xf32, #tpu.memory_space<vmem>>
    %dma_wait3A_723 = arith.constant 1792 : i32
    %dma_wait3A_724 = tpu.memref_slice %arg5[%dma_wait3A_723] : memref<3328xi32, #tpu.memory_space<vmem>> -> memref<128xi32, #tpu.memory_space<vmem>>
    %dma_wait3A_725 = arith.constant 0 : i32
    %dma_wait3A_726 = arith.constant 0 : i32
    %dma_wait3A_727 = tpu.memref_slice %arg3[%dma_wait3A_725, %dma_wait3A_726] : memref<2600000x64xf32, #tpu.memory_space<hbm>> -> memref<2600000x64xf32, #tpu.memory_space<hbm>>
    tpu.wait_indirect_dma semaphore(%arg9 : memref<!tpu.dma_semaphore, #tpu.memory_space<semaphore_mem>>) src(%dma_wait3A_727 : memref<2600000x64xf32, #tpu.memory_space<hbm>>) dst(%dma_wait3A_722 : memref<128x64xf32, #tpu.memory_space<vmem>>)
    %add3A_728 = arith.constant 1792 : i32
    %add3A_729 = arith.addi %mul3A_2, %add3A_728 : i32
    %dma_start3A_730 = arith.constant 2 : i32
    %dma_start3A_731 = arith.constant 0 : i32
    %dma_start3A_732 = arith.constant 0 : i32
    %dma_start3A_733 = tpu.memref_slice %arg6[%dma_start3A_730, %dma_start3A_731, %dma_start3A_732] : memref<4x128x64xf32, #tpu.memory_space<vmem>> -> memref<1x128x64xf32, #tpu.memory_space<vmem>>
    %dma_start3A_734 = tpu.memref_squeeze %dma_start3A_733 : memref<1x128x64xf32, #tpu.memory_space<vmem>> -> memref<128x64xf32, #tpu.memory_space<vmem>>
    %dma_start3A_735 = arith.constant 0 : i32
    %dma_start3A_736 = tpu.memref_slice %arg4[%add3A_729, %dma_start3A_735] : memref<106496x64xf32, #tpu.memory_space<hbm>> -> memref<128x64xf32, #tpu.memory_space<hbm>>
    %dma_start3A_737 = arith.constant 0 : i32
    %dma_start3A_738 = tpu.memref_slice %arg4[%add3A_729, %dma_start3A_737] : memref<106496x64xf32, #tpu.memory_space<hbm>> -> memref<128x64xf32, #tpu.memory_space<hbm>>
    %dma_start3A_739 = arith.constant 0 : i32
    %dma_start3A_740 = arith.constant 0 : i32
    %dma_start3A_741 = tpu.memref_slice %arg6[%dma_start3A_730, %dma_start3A_739, %dma_start3A_740] : memref<4x128x64xf32, #tpu.memory_space<vmem>> -> memref<1x128x64xf32, #tpu.memory_space<vmem>>
    %dma_start3A_742 = tpu.memref_squeeze %dma_start3A_741 : memref<1x128x64xf32, #tpu.memory_space<vmem>> -> memref<128x64xf32, #tpu.memory_space<vmem>>
    tpu.enqueue_dma source(%dma_start3A_742 : memref<128x64xf32, #tpu.memory_space<vmem>>) target(%dma_start3A_738 : memref<128x64xf32, #tpu.memory_space<hbm>>) target_semaphore(%arg13 : memref<!tpu.dma_semaphore, #tpu.memory_space<semaphore_mem>>)
    %dma_wait3A_743 = arith.constant 2 : i32
    %dma_wait3A_744 = arith.constant 0 : i32
    %dma_wait3A_745 = arith.constant 0 : i32
    %dma_wait3A_746 = tpu.memref_slice %arg6[%dma_wait3A_743, %dma_wait3A_744, %dma_wait3A_745] : memref<4x128x64xf32, #tpu.memory_space<vmem>> -> memref<1x128x64xf32, #tpu.memory_space<vmem>>
    %dma_wait3A_747 = tpu.memref_squeeze %dma_wait3A_746 : memref<1x128x64xf32, #tpu.memory_space<vmem>> -> memref<128x64xf32, #tpu.memory_space<vmem>>
    %dma_wait3A_748 = arith.constant 0 : i32
    %dma_wait3A_749 = tpu.memref_slice %arg4[%add3A_729, %dma_wait3A_748] : memref<106496x64xf32, #tpu.memory_space<hbm>> -> memref<128x64xf32, #tpu.memory_space<hbm>>
    %dma_wait3A_750 = arith.constant 0 : i32
    %dma_wait3A_751 = tpu.memref_slice %arg4[%add3A_729, %dma_wait3A_750] : memref<106496x64xf32, #tpu.memory_space<hbm>> -> memref<128x64xf32, #tpu.memory_space<hbm>>
    %dma_wait3A_752 = arith.constant 0 : i32
    %dma_wait3A_753 = arith.constant 0 : i32
    %dma_wait3A_754 = tpu.memref_slice %arg6[%dma_wait3A_743, %dma_wait3A_752, %dma_wait3A_753] : memref<4x128x64xf32, #tpu.memory_space<vmem>> -> memref<1x128x64xf32, #tpu.memory_space<vmem>>
    %dma_wait3A_755 = tpu.memref_squeeze %dma_wait3A_754 : memref<1x128x64xf32, #tpu.memory_space<vmem>> -> memref<128x64xf32, #tpu.memory_space<vmem>>
    tpu.wait_dma2 semaphore(%arg13 : memref<!tpu.dma_semaphore, #tpu.memory_space<semaphore_mem>>) src(%dma_wait3A_755 : memref<128x64xf32, #tpu.memory_space<vmem>>) dst(%dma_wait3A_751 : memref<128x64xf32, #tpu.memory_space<hbm>>)
    %dma_start3A_756 = arith.constant 2 : i32
    %dma_start3A_757 = arith.constant 0 : i32
    %dma_start3A_758 = arith.constant 0 : i32
    %dma_start3A_759 = tpu.memref_slice %arg6[%dma_start3A_756, %dma_start3A_757, %dma_start3A_758] : memref<4x128x64xf32, #tpu.memory_space<vmem>> -> memref<1x128x64xf32, #tpu.memory_space<vmem>>
    %dma_start3A_760 = tpu.memref_squeeze %dma_start3A_759 : memref<1x128x64xf32, #tpu.memory_space<vmem>> -> memref<128x64xf32, #tpu.memory_space<vmem>>
    %dma_start3A_761 = arith.constant 2304 : i32
    %dma_start3A_762 = tpu.memref_slice %arg5[%dma_start3A_761] : memref<3328xi32, #tpu.memory_space<vmem>> -> memref<128xi32, #tpu.memory_space<vmem>>
    %dma_start3A_763 = arith.constant 0 : i32
    %dma_start3A_764 = arith.constant 0 : i32
    %dma_start3A_765 = tpu.memref_slice %arg3[%dma_start3A_763, %dma_start3A_764] : memref<2600000x64xf32, #tpu.memory_space<hbm>> -> memref<2600000x64xf32, #tpu.memory_space<hbm>>
    tpu.enqueue_indirect_dma source(%dma_start3A_765 : memref<2600000x64xf32, #tpu.memory_space<hbm>>) target(%dma_start3A_760 : memref<128x64xf32, #tpu.memory_space<vmem>>) offsets(%dma_start3A_762 : memref<128xi32, #tpu.memory_space<vmem>>) semaphore(%arg9 : memref<!tpu.dma_semaphore, #tpu.memory_space<semaphore_mem>>)
    %dma_wait3A_766 = arith.constant 3 : i32
    %dma_wait3A_767 = arith.constant 0 : i32
    %dma_wait3A_768 = arith.constant 0 : i32
    %dma_wait3A_769 = tpu.memref_slice %arg6[%dma_wait3A_766, %dma_wait3A_767, %dma_wait3A_768] : memref<4x128x64xf32, #tpu.memory_space<vmem>> -> memref<1x128x64xf32, #tpu.memory_space<vmem>>
    %dma_wait3A_770 = tpu.memref_squeeze %dma_wait3A_769 : memref<1x128x64xf32, #tpu.memory_space<vmem>> -> memref<128x64xf32, #tpu.memory_space<vmem>>
    %dma_wait3A_771 = arith.constant 1920 : i32
    %dma_wait3A_772 = tpu.memref_slice %arg5[%dma_wait3A_771] : memref<3328xi32, #tpu.memory_space<vmem>> -> memref<128xi32, #tpu.memory_space<vmem>>
    %dma_wait3A_773 = arith.constant 0 : i32
    %dma_wait3A_774 = arith.constant 0 : i32
    %dma_wait3A_775 = tpu.memref_slice %arg3[%dma_wait3A_773, %dma_wait3A_774] : memref<2600000x64xf32, #tpu.memory_space<hbm>> -> memref<2600000x64xf32, #tpu.memory_space<hbm>>
    tpu.wait_indirect_dma semaphore(%arg10 : memref<!tpu.dma_semaphore, #tpu.memory_space<semaphore_mem>>) src(%dma_wait3A_775 : memref<2600000x64xf32, #tpu.memory_space<hbm>>) dst(%dma_wait3A_770 : memref<128x64xf32, #tpu.memory_space<vmem>>)
    %add3A_776 = arith.constant 1920 : i32
    %add3A_777 = arith.addi %mul3A_2, %add3A_776 : i32
    %dma_start3A_778 = arith.constant 3 : i32
    %dma_start3A_779 = arith.constant 0 : i32
    %dma_start3A_780 = arith.constant 0 : i32
    %dma_start3A_781 = tpu.memref_slice %arg6[%dma_start3A_778, %dma_start3A_779, %dma_start3A_780] : memref<4x128x64xf32, #tpu.memory_space<vmem>> -> memref<1x128x64xf32, #tpu.memory_space<vmem>>
    %dma_start3A_782 = tpu.memref_squeeze %dma_start3A_781 : memref<1x128x64xf32, #tpu.memory_space<vmem>> -> memref<128x64xf32, #tpu.memory_space<vmem>>
    %dma_start3A_783 = arith.constant 0 : i32
    %dma_start3A_784 = tpu.memref_slice %arg4[%add3A_777, %dma_start3A_783] : memref<106496x64xf32, #tpu.memory_space<hbm>> -> memref<128x64xf32, #tpu.memory_space<hbm>>
    %dma_start3A_785 = arith.constant 0 : i32
    %dma_start3A_786 = tpu.memref_slice %arg4[%add3A_777, %dma_start3A_785] : memref<106496x64xf32, #tpu.memory_space<hbm>> -> memref<128x64xf32, #tpu.memory_space<hbm>>
    %dma_start3A_787 = arith.constant 0 : i32
    %dma_start3A_788 = arith.constant 0 : i32
    %dma_start3A_789 = tpu.memref_slice %arg6[%dma_start3A_778, %dma_start3A_787, %dma_start3A_788] : memref<4x128x64xf32, #tpu.memory_space<vmem>> -> memref<1x128x64xf32, #tpu.memory_space<vmem>>
    %dma_start3A_790 = tpu.memref_squeeze %dma_start3A_789 : memref<1x128x64xf32, #tpu.memory_space<vmem>> -> memref<128x64xf32, #tpu.memory_space<vmem>>
    tpu.enqueue_dma source(%dma_start3A_790 : memref<128x64xf32, #tpu.memory_space<vmem>>) target(%dma_start3A_786 : memref<128x64xf32, #tpu.memory_space<hbm>>) target_semaphore(%arg14 : memref<!tpu.dma_semaphore, #tpu.memory_space<semaphore_mem>>)
    %dma_wait3A_791 = arith.constant 3 : i32
    %dma_wait3A_792 = arith.constant 0 : i32
    %dma_wait3A_793 = arith.constant 0 : i32
    %dma_wait3A_794 = tpu.memref_slice %arg6[%dma_wait3A_791, %dma_wait3A_792, %dma_wait3A_793] : memref<4x128x64xf32, #tpu.memory_space<vmem>> -> memref<1x128x64xf32, #tpu.memory_space<vmem>>
    %dma_wait3A_795 = tpu.memref_squeeze %dma_wait3A_794 : memref<1x128x64xf32, #tpu.memory_space<vmem>> -> memref<128x64xf32, #tpu.memory_space<vmem>>
    %dma_wait3A_796 = arith.constant 0 : i32
    %dma_wait3A_797 = tpu.memref_slice %arg4[%add3A_777, %dma_wait3A_796] : memref<106496x64xf32, #tpu.memory_space<hbm>> -> memref<128x64xf32, #tpu.memory_space<hbm>>
    %dma_wait3A_798 = arith.constant 0 : i32
    %dma_wait3A_799 = tpu.memref_slice %arg4[%add3A_777, %dma_wait3A_798] : memref<106496x64xf32, #tpu.memory_space<hbm>> -> memref<128x64xf32, #tpu.memory_space<hbm>>
    %dma_wait3A_800 = arith.constant 0 : i32
    %dma_wait3A_801 = arith.constant 0 : i32
    %dma_wait3A_802 = tpu.memref_slice %arg6[%dma_wait3A_791, %dma_wait3A_800, %dma_wait3A_801] : memref<4x128x64xf32, #tpu.memory_space<vmem>> -> memref<1x128x64xf32, #tpu.memory_space<vmem>>
    %dma_wait3A_803 = tpu.memref_squeeze %dma_wait3A_802 : memref<1x128x64xf32, #tpu.memory_space<vmem>> -> memref<128x64xf32, #tpu.memory_space<vmem>>
    tpu.wait_dma2 semaphore(%arg14 : memref<!tpu.dma_semaphore, #tpu.memory_space<semaphore_mem>>) src(%dma_wait3A_803 : memref<128x64xf32, #tpu.memory_space<vmem>>) dst(%dma_wait3A_799 : memref<128x64xf32, #tpu.memory_space<hbm>>)
    %dma_start3A_804 = arith.constant 3 : i32
    %dma_start3A_805 = arith.constant 0 : i32
    %dma_start3A_806 = arith.constant 0 : i32
    %dma_start3A_807 = tpu.memref_slice %arg6[%dma_start3A_804, %dma_start3A_805, %dma_start3A_806] : memref<4x128x64xf32, #tpu.memory_space<vmem>> -> memref<1x128x64xf32, #tpu.memory_space<vmem>>
    %dma_start3A_808 = tpu.memref_squeeze %dma_start3A_807 : memref<1x128x64xf32, #tpu.memory_space<vmem>> -> memref<128x64xf32, #tpu.memory_space<vmem>>
    %dma_start3A_809 = arith.constant 2432 : i32
    %dma_start3A_810 = tpu.memref_slice %arg5[%dma_start3A_809] : memref<3328xi32, #tpu.memory_space<vmem>> -> memref<128xi32, #tpu.memory_space<vmem>>
    %dma_start3A_811 = arith.constant 0 : i32
    %dma_start3A_812 = arith.constant 0 : i32
    %dma_start3A_813 = tpu.memref_slice %arg3[%dma_start3A_811, %dma_start3A_812] : memref<2600000x64xf32, #tpu.memory_space<hbm>> -> memref<2600000x64xf32, #tpu.memory_space<hbm>>
    tpu.enqueue_indirect_dma source(%dma_start3A_813 : memref<2600000x64xf32, #tpu.memory_space<hbm>>) target(%dma_start3A_808 : memref<128x64xf32, #tpu.memory_space<vmem>>) offsets(%dma_start3A_810 : memref<128xi32, #tpu.memory_space<vmem>>) semaphore(%arg10 : memref<!tpu.dma_semaphore, #tpu.memory_space<semaphore_mem>>)
    %dma_wait3A_814 = arith.constant 0 : i32
    %dma_wait3A_815 = arith.constant 0 : i32
    %dma_wait3A_816 = arith.constant 0 : i32
    %dma_wait3A_817 = tpu.memref_slice %arg6[%dma_wait3A_814, %dma_wait3A_815, %dma_wait3A_816] : memref<4x128x64xf32, #tpu.memory_space<vmem>> -> memref<1x128x64xf32, #tpu.memory_space<vmem>>
    %dma_wait3A_818 = tpu.memref_squeeze %dma_wait3A_817 : memref<1x128x64xf32, #tpu.memory_space<vmem>> -> memref<128x64xf32, #tpu.memory_space<vmem>>
    %dma_wait3A_819 = arith.constant 2048 : i32
    %dma_wait3A_820 = tpu.memref_slice %arg5[%dma_wait3A_819] : memref<3328xi32, #tpu.memory_space<vmem>> -> memref<128xi32, #tpu.memory_space<vmem>>
    %dma_wait3A_821 = arith.constant 0 : i32
    %dma_wait3A_822 = arith.constant 0 : i32
    %dma_wait3A_823 = tpu.memref_slice %arg3[%dma_wait3A_821, %dma_wait3A_822] : memref<2600000x64xf32, #tpu.memory_space<hbm>> -> memref<2600000x64xf32, #tpu.memory_space<hbm>>
    tpu.wait_indirect_dma semaphore(%arg7 : memref<!tpu.dma_semaphore, #tpu.memory_space<semaphore_mem>>) src(%dma_wait3A_823 : memref<2600000x64xf32, #tpu.memory_space<hbm>>) dst(%dma_wait3A_818 : memref<128x64xf32, #tpu.memory_space<vmem>>)
    %add3A_824 = arith.constant 2048 : i32
    %add3A_825 = arith.addi %mul3A_2, %add3A_824 : i32
    %dma_start3A_826 = arith.constant 0 : i32
    %dma_start3A_827 = arith.constant 0 : i32
    %dma_start3A_828 = arith.constant 0 : i32
    %dma_start3A_829 = tpu.memref_slice %arg6[%dma_start3A_826, %dma_start3A_827, %dma_start3A_828] : memref<4x128x64xf32, #tpu.memory_space<vmem>> -> memref<1x128x64xf32, #tpu.memory_space<vmem>>
    %dma_start3A_830 = tpu.memref_squeeze %dma_start3A_829 : memref<1x128x64xf32, #tpu.memory_space<vmem>> -> memref<128x64xf32, #tpu.memory_space<vmem>>
    %dma_start3A_831 = arith.constant 0 : i32
    %dma_start3A_832 = tpu.memref_slice %arg4[%add3A_825, %dma_start3A_831] : memref<106496x64xf32, #tpu.memory_space<hbm>> -> memref<128x64xf32, #tpu.memory_space<hbm>>
    %dma_start3A_833 = arith.constant 0 : i32
    %dma_start3A_834 = tpu.memref_slice %arg4[%add3A_825, %dma_start3A_833] : memref<106496x64xf32, #tpu.memory_space<hbm>> -> memref<128x64xf32, #tpu.memory_space<hbm>>
    %dma_start3A_835 = arith.constant 0 : i32
    %dma_start3A_836 = arith.constant 0 : i32
    %dma_start3A_837 = tpu.memref_slice %arg6[%dma_start3A_826, %dma_start3A_835, %dma_start3A_836] : memref<4x128x64xf32, #tpu.memory_space<vmem>> -> memref<1x128x64xf32, #tpu.memory_space<vmem>>
    %dma_start3A_838 = tpu.memref_squeeze %dma_start3A_837 : memref<1x128x64xf32, #tpu.memory_space<vmem>> -> memref<128x64xf32, #tpu.memory_space<vmem>>
    tpu.enqueue_dma source(%dma_start3A_838 : memref<128x64xf32, #tpu.memory_space<vmem>>) target(%dma_start3A_834 : memref<128x64xf32, #tpu.memory_space<hbm>>) target_semaphore(%arg11 : memref<!tpu.dma_semaphore, #tpu.memory_space<semaphore_mem>>)
    %dma_wait3A_839 = arith.constant 0 : i32
    %dma_wait3A_840 = arith.constant 0 : i32
    %dma_wait3A_841 = arith.constant 0 : i32
    %dma_wait3A_842 = tpu.memref_slice %arg6[%dma_wait3A_839, %dma_wait3A_840, %dma_wait3A_841] : memref<4x128x64xf32, #tpu.memory_space<vmem>> -> memref<1x128x64xf32, #tpu.memory_space<vmem>>
    %dma_wait3A_843 = tpu.memref_squeeze %dma_wait3A_842 : memref<1x128x64xf32, #tpu.memory_space<vmem>> -> memref<128x64xf32, #tpu.memory_space<vmem>>
    %dma_wait3A_844 = arith.constant 0 : i32
    %dma_wait3A_845 = tpu.memref_slice %arg4[%add3A_825, %dma_wait3A_844] : memref<106496x64xf32, #tpu.memory_space<hbm>> -> memref<128x64xf32, #tpu.memory_space<hbm>>
    %dma_wait3A_846 = arith.constant 0 : i32
    %dma_wait3A_847 = tpu.memref_slice %arg4[%add3A_825, %dma_wait3A_846] : memref<106496x64xf32, #tpu.memory_space<hbm>> -> memref<128x64xf32, #tpu.memory_space<hbm>>
    %dma_wait3A_848 = arith.constant 0 : i32
    %dma_wait3A_849 = arith.constant 0 : i32
    %dma_wait3A_850 = tpu.memref_slice %arg6[%dma_wait3A_839, %dma_wait3A_848, %dma_wait3A_849] : memref<4x128x64xf32, #tpu.memory_space<vmem>> -> memref<1x128x64xf32, #tpu.memory_space<vmem>>
    %dma_wait3A_851 = tpu.memref_squeeze %dma_wait3A_850 : memref<1x128x64xf32, #tpu.memory_space<vmem>> -> memref<128x64xf32, #tpu.memory_space<vmem>>
    tpu.wait_dma2 semaphore(%arg11 : memref<!tpu.dma_semaphore, #tpu.memory_space<semaphore_mem>>) src(%dma_wait3A_851 : memref<128x64xf32, #tpu.memory_space<vmem>>) dst(%dma_wait3A_847 : memref<128x64xf32, #tpu.memory_space<hbm>>)
    %dma_start3A_852 = arith.constant 0 : i32
    %dma_start3A_853 = arith.constant 0 : i32
    %dma_start3A_854 = arith.constant 0 : i32
    %dma_start3A_855 = tpu.memref_slice %arg6[%dma_start3A_852, %dma_start3A_853, %dma_start3A_854] : memref<4x128x64xf32, #tpu.memory_space<vmem>> -> memref<1x128x64xf32, #tpu.memory_space<vmem>>
    %dma_start3A_856 = tpu.memref_squeeze %dma_start3A_855 : memref<1x128x64xf32, #tpu.memory_space<vmem>> -> memref<128x64xf32, #tpu.memory_space<vmem>>
    %dma_start3A_857 = arith.constant 2560 : i32
    %dma_start3A_858 = tpu.memref_slice %arg5[%dma_start3A_857] : memref<3328xi32, #tpu.memory_space<vmem>> -> memref<128xi32, #tpu.memory_space<vmem>>
    %dma_start3A_859 = arith.constant 0 : i32
    %dma_start3A_860 = arith.constant 0 : i32
    %dma_start3A_861 = tpu.memref_slice %arg3[%dma_start3A_859, %dma_start3A_860] : memref<2600000x64xf32, #tpu.memory_space<hbm>> -> memref<2600000x64xf32, #tpu.memory_space<hbm>>
    tpu.enqueue_indirect_dma source(%dma_start3A_861 : memref<2600000x64xf32, #tpu.memory_space<hbm>>) target(%dma_start3A_856 : memref<128x64xf32, #tpu.memory_space<vmem>>) offsets(%dma_start3A_858 : memref<128xi32, #tpu.memory_space<vmem>>) semaphore(%arg7 : memref<!tpu.dma_semaphore, #tpu.memory_space<semaphore_mem>>)
    %dma_wait3A_862 = arith.constant 1 : i32
    %dma_wait3A_863 = arith.constant 0 : i32
    %dma_wait3A_864 = arith.constant 0 : i32
    %dma_wait3A_865 = tpu.memref_slice %arg6[%dma_wait3A_862, %dma_wait3A_863, %dma_wait3A_864] : memref<4x128x64xf32, #tpu.memory_space<vmem>> -> memref<1x128x64xf32, #tpu.memory_space<vmem>>
    %dma_wait3A_866 = tpu.memref_squeeze %dma_wait3A_865 : memref<1x128x64xf32, #tpu.memory_space<vmem>> -> memref<128x64xf32, #tpu.memory_space<vmem>>
    %dma_wait3A_867 = arith.constant 2176 : i32
    %dma_wait3A_868 = tpu.memref_slice %arg5[%dma_wait3A_867] : memref<3328xi32, #tpu.memory_space<vmem>> -> memref<128xi32, #tpu.memory_space<vmem>>
    %dma_wait3A_869 = arith.constant 0 : i32
    %dma_wait3A_870 = arith.constant 0 : i32
    %dma_wait3A_871 = tpu.memref_slice %arg3[%dma_wait3A_869, %dma_wait3A_870] : memref<2600000x64xf32, #tpu.memory_space<hbm>> -> memref<2600000x64xf32, #tpu.memory_space<hbm>>
    tpu.wait_indirect_dma semaphore(%arg8 : memref<!tpu.dma_semaphore, #tpu.memory_space<semaphore_mem>>) src(%dma_wait3A_871 : memref<2600000x64xf32, #tpu.memory_space<hbm>>) dst(%dma_wait3A_866 : memref<128x64xf32, #tpu.memory_space<vmem>>)
    %add3A_872 = arith.constant 2176 : i32
    %add3A_873 = arith.addi %mul3A_2, %add3A_872 : i32
    %dma_start3A_874 = arith.constant 1 : i32
    %dma_start3A_875 = arith.constant 0 : i32
    %dma_start3A_876 = arith.constant 0 : i32
    %dma_start3A_877 = tpu.memref_slice %arg6[%dma_start3A_874, %dma_start3A_875, %dma_start3A_876] : memref<4x128x64xf32, #tpu.memory_space<vmem>> -> memref<1x128x64xf32, #tpu.memory_space<vmem>>
    %dma_start3A_878 = tpu.memref_squeeze %dma_start3A_877 : memref<1x128x64xf32, #tpu.memory_space<vmem>> -> memref<128x64xf32, #tpu.memory_space<vmem>>
    %dma_start3A_879 = arith.constant 0 : i32
    %dma_start3A_880 = tpu.memref_slice %arg4[%add3A_873, %dma_start3A_879] : memref<106496x64xf32, #tpu.memory_space<hbm>> -> memref<128x64xf32, #tpu.memory_space<hbm>>
    %dma_start3A_881 = arith.constant 0 : i32
    %dma_start3A_882 = tpu.memref_slice %arg4[%add3A_873, %dma_start3A_881] : memref<106496x64xf32, #tpu.memory_space<hbm>> -> memref<128x64xf32, #tpu.memory_space<hbm>>
    %dma_start3A_883 = arith.constant 0 : i32
    %dma_start3A_884 = arith.constant 0 : i32
    %dma_start3A_885 = tpu.memref_slice %arg6[%dma_start3A_874, %dma_start3A_883, %dma_start3A_884] : memref<4x128x64xf32, #tpu.memory_space<vmem>> -> memref<1x128x64xf32, #tpu.memory_space<vmem>>
    %dma_start3A_886 = tpu.memref_squeeze %dma_start3A_885 : memref<1x128x64xf32, #tpu.memory_space<vmem>> -> memref<128x64xf32, #tpu.memory_space<vmem>>
    tpu.enqueue_dma source(%dma_start3A_886 : memref<128x64xf32, #tpu.memory_space<vmem>>) target(%dma_start3A_882 : memref<128x64xf32, #tpu.memory_space<hbm>>) target_semaphore(%arg12 : memref<!tpu.dma_semaphore, #tpu.memory_space<semaphore_mem>>)
    %dma_wait3A_887 = arith.constant 1 : i32
    %dma_wait3A_888 = arith.constant 0 : i32
    %dma_wait3A_889 = arith.constant 0 : i32
    %dma_wait3A_890 = tpu.memref_slice %arg6[%dma_wait3A_887, %dma_wait3A_888, %dma_wait3A_889] : memref<4x128x64xf32, #tpu.memory_space<vmem>> -> memref<1x128x64xf32, #tpu.memory_space<vmem>>
    %dma_wait3A_891 = tpu.memref_squeeze %dma_wait3A_890 : memref<1x128x64xf32, #tpu.memory_space<vmem>> -> memref<128x64xf32, #tpu.memory_space<vmem>>
    %dma_wait3A_892 = arith.constant 0 : i32
    %dma_wait3A_893 = tpu.memref_slice %arg4[%add3A_873, %dma_wait3A_892] : memref<106496x64xf32, #tpu.memory_space<hbm>> -> memref<128x64xf32, #tpu.memory_space<hbm>>
    %dma_wait3A_894 = arith.constant 0 : i32
    %dma_wait3A_895 = tpu.memref_slice %arg4[%add3A_873, %dma_wait3A_894] : memref<106496x64xf32, #tpu.memory_space<hbm>> -> memref<128x64xf32, #tpu.memory_space<hbm>>
    %dma_wait3A_896 = arith.constant 0 : i32
    %dma_wait3A_897 = arith.constant 0 : i32
    %dma_wait3A_898 = tpu.memref_slice %arg6[%dma_wait3A_887, %dma_wait3A_896, %dma_wait3A_897] : memref<4x128x64xf32, #tpu.memory_space<vmem>> -> memref<1x128x64xf32, #tpu.memory_space<vmem>>
    %dma_wait3A_899 = tpu.memref_squeeze %dma_wait3A_898 : memref<1x128x64xf32, #tpu.memory_space<vmem>> -> memref<128x64xf32, #tpu.memory_space<vmem>>
    tpu.wait_dma2 semaphore(%arg12 : memref<!tpu.dma_semaphore, #tpu.memory_space<semaphore_mem>>) src(%dma_wait3A_899 : memref<128x64xf32, #tpu.memory_space<vmem>>) dst(%dma_wait3A_895 : memref<128x64xf32, #tpu.memory_space<hbm>>)
    %dma_start3A_900 = arith.constant 1 : i32
    %dma_start3A_901 = arith.constant 0 : i32
    %dma_start3A_902 = arith.constant 0 : i32
    %dma_start3A_903 = tpu.memref_slice %arg6[%dma_start3A_900, %dma_start3A_901, %dma_start3A_902] : memref<4x128x64xf32, #tpu.memory_space<vmem>> -> memref<1x128x64xf32, #tpu.memory_space<vmem>>
    %dma_start3A_904 = tpu.memref_squeeze %dma_start3A_903 : memref<1x128x64xf32, #tpu.memory_space<vmem>> -> memref<128x64xf32, #tpu.memory_space<vmem>>
    %dma_start3A_905 = arith.constant 2688 : i32
    %dma_start3A_906 = tpu.memref_slice %arg5[%dma_start3A_905] : memref<3328xi32, #tpu.memory_space<vmem>> -> memref<128xi32, #tpu.memory_space<vmem>>
    %dma_start3A_907 = arith.constant 0 : i32
    %dma_start3A_908 = arith.constant 0 : i32
    %dma_start3A_909 = tpu.memref_slice %arg3[%dma_start3A_907, %dma_start3A_908] : memref<2600000x64xf32, #tpu.memory_space<hbm>> -> memref<2600000x64xf32, #tpu.memory_space<hbm>>
    tpu.enqueue_indirect_dma source(%dma_start3A_909 : memref<2600000x64xf32, #tpu.memory_space<hbm>>) target(%dma_start3A_904 : memref<128x64xf32, #tpu.memory_space<vmem>>) offsets(%dma_start3A_906 : memref<128xi32, #tpu.memory_space<vmem>>) semaphore(%arg8 : memref<!tpu.dma_semaphore, #tpu.memory_space<semaphore_mem>>)
    %dma_wait3A_910 = arith.constant 2 : i32
    %dma_wait3A_911 = arith.constant 0 : i32
    %dma_wait3A_912 = arith.constant 0 : i32
    %dma_wait3A_913 = tpu.memref_slice %arg6[%dma_wait3A_910, %dma_wait3A_911, %dma_wait3A_912] : memref<4x128x64xf32, #tpu.memory_space<vmem>> -> memref<1x128x64xf32, #tpu.memory_space<vmem>>
    %dma_wait3A_914 = tpu.memref_squeeze %dma_wait3A_913 : memref<1x128x64xf32, #tpu.memory_space<vmem>> -> memref<128x64xf32, #tpu.memory_space<vmem>>
    %dma_wait3A_915 = arith.constant 2304 : i32
    %dma_wait3A_916 = tpu.memref_slice %arg5[%dma_wait3A_915] : memref<3328xi32, #tpu.memory_space<vmem>> -> memref<128xi32, #tpu.memory_space<vmem>>
    %dma_wait3A_917 = arith.constant 0 : i32
    %dma_wait3A_918 = arith.constant 0 : i32
    %dma_wait3A_919 = tpu.memref_slice %arg3[%dma_wait3A_917, %dma_wait3A_918] : memref<2600000x64xf32, #tpu.memory_space<hbm>> -> memref<2600000x64xf32, #tpu.memory_space<hbm>>
    tpu.wait_indirect_dma semaphore(%arg9 : memref<!tpu.dma_semaphore, #tpu.memory_space<semaphore_mem>>) src(%dma_wait3A_919 : memref<2600000x64xf32, #tpu.memory_space<hbm>>) dst(%dma_wait3A_914 : memref<128x64xf32, #tpu.memory_space<vmem>>)
    %add3A_920 = arith.constant 2304 : i32
    %add3A_921 = arith.addi %mul3A_2, %add3A_920 : i32
    %dma_start3A_922 = arith.constant 2 : i32
    %dma_start3A_923 = arith.constant 0 : i32
    %dma_start3A_924 = arith.constant 0 : i32
    %dma_start3A_925 = tpu.memref_slice %arg6[%dma_start3A_922, %dma_start3A_923, %dma_start3A_924] : memref<4x128x64xf32, #tpu.memory_space<vmem>> -> memref<1x128x64xf32, #tpu.memory_space<vmem>>
    %dma_start3A_926 = tpu.memref_squeeze %dma_start3A_925 : memref<1x128x64xf32, #tpu.memory_space<vmem>> -> memref<128x64xf32, #tpu.memory_space<vmem>>
    %dma_start3A_927 = arith.constant 0 : i32
    %dma_start3A_928 = tpu.memref_slice %arg4[%add3A_921, %dma_start3A_927] : memref<106496x64xf32, #tpu.memory_space<hbm>> -> memref<128x64xf32, #tpu.memory_space<hbm>>
    %dma_start3A_929 = arith.constant 0 : i32
    %dma_start3A_930 = tpu.memref_slice %arg4[%add3A_921, %dma_start3A_929] : memref<106496x64xf32, #tpu.memory_space<hbm>> -> memref<128x64xf32, #tpu.memory_space<hbm>>
    %dma_start3A_931 = arith.constant 0 : i32
    %dma_start3A_932 = arith.constant 0 : i32
    %dma_start3A_933 = tpu.memref_slice %arg6[%dma_start3A_922, %dma_start3A_931, %dma_start3A_932] : memref<4x128x64xf32, #tpu.memory_space<vmem>> -> memref<1x128x64xf32, #tpu.memory_space<vmem>>
    %dma_start3A_934 = tpu.memref_squeeze %dma_start3A_933 : memref<1x128x64xf32, #tpu.memory_space<vmem>> -> memref<128x64xf32, #tpu.memory_space<vmem>>
    tpu.enqueue_dma source(%dma_start3A_934 : memref<128x64xf32, #tpu.memory_space<vmem>>) target(%dma_start3A_930 : memref<128x64xf32, #tpu.memory_space<hbm>>) target_semaphore(%arg13 : memref<!tpu.dma_semaphore, #tpu.memory_space<semaphore_mem>>)
    %dma_wait3A_935 = arith.constant 2 : i32
    %dma_wait3A_936 = arith.constant 0 : i32
    %dma_wait3A_937 = arith.constant 0 : i32
    %dma_wait3A_938 = tpu.memref_slice %arg6[%dma_wait3A_935, %dma_wait3A_936, %dma_wait3A_937] : memref<4x128x64xf32, #tpu.memory_space<vmem>> -> memref<1x128x64xf32, #tpu.memory_space<vmem>>
    %dma_wait3A_939 = tpu.memref_squeeze %dma_wait3A_938 : memref<1x128x64xf32, #tpu.memory_space<vmem>> -> memref<128x64xf32, #tpu.memory_space<vmem>>
    %dma_wait3A_940 = arith.constant 0 : i32
    %dma_wait3A_941 = tpu.memref_slice %arg4[%add3A_921, %dma_wait3A_940] : memref<106496x64xf32, #tpu.memory_space<hbm>> -> memref<128x64xf32, #tpu.memory_space<hbm>>
    %dma_wait3A_942 = arith.constant 0 : i32
    %dma_wait3A_943 = tpu.memref_slice %arg4[%add3A_921, %dma_wait3A_942] : memref<106496x64xf32, #tpu.memory_space<hbm>> -> memref<128x64xf32, #tpu.memory_space<hbm>>
    %dma_wait3A_944 = arith.constant 0 : i32
    %dma_wait3A_945 = arith.constant 0 : i32
    %dma_wait3A_946 = tpu.memref_slice %arg6[%dma_wait3A_935, %dma_wait3A_944, %dma_wait3A_945] : memref<4x128x64xf32, #tpu.memory_space<vmem>> -> memref<1x128x64xf32, #tpu.memory_space<vmem>>
    %dma_wait3A_947 = tpu.memref_squeeze %dma_wait3A_946 : memref<1x128x64xf32, #tpu.memory_space<vmem>> -> memref<128x64xf32, #tpu.memory_space<vmem>>
    tpu.wait_dma2 semaphore(%arg13 : memref<!tpu.dma_semaphore, #tpu.memory_space<semaphore_mem>>) src(%dma_wait3A_947 : memref<128x64xf32, #tpu.memory_space<vmem>>) dst(%dma_wait3A_943 : memref<128x64xf32, #tpu.memory_space<hbm>>)
    %dma_start3A_948 = arith.constant 2 : i32
    %dma_start3A_949 = arith.constant 0 : i32
    %dma_start3A_950 = arith.constant 0 : i32
    %dma_start3A_951 = tpu.memref_slice %arg6[%dma_start3A_948, %dma_start3A_949, %dma_start3A_950] : memref<4x128x64xf32, #tpu.memory_space<vmem>> -> memref<1x128x64xf32, #tpu.memory_space<vmem>>
    %dma_start3A_952 = tpu.memref_squeeze %dma_start3A_951 : memref<1x128x64xf32, #tpu.memory_space<vmem>> -> memref<128x64xf32, #tpu.memory_space<vmem>>
    %dma_start3A_953 = arith.constant 2816 : i32
    %dma_start3A_954 = tpu.memref_slice %arg5[%dma_start3A_953] : memref<3328xi32, #tpu.memory_space<vmem>> -> memref<128xi32, #tpu.memory_space<vmem>>
    %dma_start3A_955 = arith.constant 0 : i32
    %dma_start3A_956 = arith.constant 0 : i32
    %dma_start3A_957 = tpu.memref_slice %arg3[%dma_start3A_955, %dma_start3A_956] : memref<2600000x64xf32, #tpu.memory_space<hbm>> -> memref<2600000x64xf32, #tpu.memory_space<hbm>>
    tpu.enqueue_indirect_dma source(%dma_start3A_957 : memref<2600000x64xf32, #tpu.memory_space<hbm>>) target(%dma_start3A_952 : memref<128x64xf32, #tpu.memory_space<vmem>>) offsets(%dma_start3A_954 : memref<128xi32, #tpu.memory_space<vmem>>) semaphore(%arg9 : memref<!tpu.dma_semaphore, #tpu.memory_space<semaphore_mem>>)
    %dma_wait3A_958 = arith.constant 3 : i32
    %dma_wait3A_959 = arith.constant 0 : i32
    %dma_wait3A_960 = arith.constant 0 : i32
    %dma_wait3A_961 = tpu.memref_slice %arg6[%dma_wait3A_958, %dma_wait3A_959, %dma_wait3A_960] : memref<4x128x64xf32, #tpu.memory_space<vmem>> -> memref<1x128x64xf32, #tpu.memory_space<vmem>>
    %dma_wait3A_962 = tpu.memref_squeeze %dma_wait3A_961 : memref<1x128x64xf32, #tpu.memory_space<vmem>> -> memref<128x64xf32, #tpu.memory_space<vmem>>
    %dma_wait3A_963 = arith.constant 2432 : i32
    %dma_wait3A_964 = tpu.memref_slice %arg5[%dma_wait3A_963] : memref<3328xi32, #tpu.memory_space<vmem>> -> memref<128xi32, #tpu.memory_space<vmem>>
    %dma_wait3A_965 = arith.constant 0 : i32
    %dma_wait3A_966 = arith.constant 0 : i32
    %dma_wait3A_967 = tpu.memref_slice %arg3[%dma_wait3A_965, %dma_wait3A_966] : memref<2600000x64xf32, #tpu.memory_space<hbm>> -> memref<2600000x64xf32, #tpu.memory_space<hbm>>
    tpu.wait_indirect_dma semaphore(%arg10 : memref<!tpu.dma_semaphore, #tpu.memory_space<semaphore_mem>>) src(%dma_wait3A_967 : memref<2600000x64xf32, #tpu.memory_space<hbm>>) dst(%dma_wait3A_962 : memref<128x64xf32, #tpu.memory_space<vmem>>)
    %add3A_968 = arith.constant 2432 : i32
    %add3A_969 = arith.addi %mul3A_2, %add3A_968 : i32
    %dma_start3A_970 = arith.constant 3 : i32
    %dma_start3A_971 = arith.constant 0 : i32
    %dma_start3A_972 = arith.constant 0 : i32
    %dma_start3A_973 = tpu.memref_slice %arg6[%dma_start3A_970, %dma_start3A_971, %dma_start3A_972] : memref<4x128x64xf32, #tpu.memory_space<vmem>> -> memref<1x128x64xf32, #tpu.memory_space<vmem>>
    %dma_start3A_974 = tpu.memref_squeeze %dma_start3A_973 : memref<1x128x64xf32, #tpu.memory_space<vmem>> -> memref<128x64xf32, #tpu.memory_space<vmem>>
    %dma_start3A_975 = arith.constant 0 : i32
    %dma_start3A_976 = tpu.memref_slice %arg4[%add3A_969, %dma_start3A_975] : memref<106496x64xf32, #tpu.memory_space<hbm>> -> memref<128x64xf32, #tpu.memory_space<hbm>>
    %dma_start3A_977 = arith.constant 0 : i32
    %dma_start3A_978 = tpu.memref_slice %arg4[%add3A_969, %dma_start3A_977] : memref<106496x64xf32, #tpu.memory_space<hbm>> -> memref<128x64xf32, #tpu.memory_space<hbm>>
    %dma_start3A_979 = arith.constant 0 : i32
    %dma_start3A_980 = arith.constant 0 : i32
    %dma_start3A_981 = tpu.memref_slice %arg6[%dma_start3A_970, %dma_start3A_979, %dma_start3A_980] : memref<4x128x64xf32, #tpu.memory_space<vmem>> -> memref<1x128x64xf32, #tpu.memory_space<vmem>>
    %dma_start3A_982 = tpu.memref_squeeze %dma_start3A_981 : memref<1x128x64xf32, #tpu.memory_space<vmem>> -> memref<128x64xf32, #tpu.memory_space<vmem>>
    tpu.enqueue_dma source(%dma_start3A_982 : memref<128x64xf32, #tpu.memory_space<vmem>>) target(%dma_start3A_978 : memref<128x64xf32, #tpu.memory_space<hbm>>) target_semaphore(%arg14 : memref<!tpu.dma_semaphore, #tpu.memory_space<semaphore_mem>>)
    %dma_wait3A_983 = arith.constant 3 : i32
    %dma_wait3A_984 = arith.constant 0 : i32
    %dma_wait3A_985 = arith.constant 0 : i32
    %dma_wait3A_986 = tpu.memref_slice %arg6[%dma_wait3A_983, %dma_wait3A_984, %dma_wait3A_985] : memref<4x128x64xf32, #tpu.memory_space<vmem>> -> memref<1x128x64xf32, #tpu.memory_space<vmem>>
    %dma_wait3A_987 = tpu.memref_squeeze %dma_wait3A_986 : memref<1x128x64xf32, #tpu.memory_space<vmem>> -> memref<128x64xf32, #tpu.memory_space<vmem>>
    %dma_wait3A_988 = arith.constant 0 : i32
    %dma_wait3A_989 = tpu.memref_slice %arg4[%add3A_969, %dma_wait3A_988] : memref<106496x64xf32, #tpu.memory_space<hbm>> -> memref<128x64xf32, #tpu.memory_space<hbm>>
    %dma_wait3A_990 = arith.constant 0 : i32
    %dma_wait3A_991 = tpu.memref_slice %arg4[%add3A_969, %dma_wait3A_990] : memref<106496x64xf32, #tpu.memory_space<hbm>> -> memref<128x64xf32, #tpu.memory_space<hbm>>
    %dma_wait3A_992 = arith.constant 0 : i32
    %dma_wait3A_993 = arith.constant 0 : i32
    %dma_wait3A_994 = tpu.memref_slice %arg6[%dma_wait3A_983, %dma_wait3A_992, %dma_wait3A_993] : memref<4x128x64xf32, #tpu.memory_space<vmem>> -> memref<1x128x64xf32, #tpu.memory_space<vmem>>
    %dma_wait3A_995 = tpu.memref_squeeze %dma_wait3A_994 : memref<1x128x64xf32, #tpu.memory_space<vmem>> -> memref<128x64xf32, #tpu.memory_space<vmem>>
    tpu.wait_dma2 semaphore(%arg14 : memref<!tpu.dma_semaphore, #tpu.memory_space<semaphore_mem>>) src(%dma_wait3A_995 : memref<128x64xf32, #tpu.memory_space<vmem>>) dst(%dma_wait3A_991 : memref<128x64xf32, #tpu.memory_space<hbm>>)
    %dma_start3A_996 = arith.constant 3 : i32
    %dma_start3A_997 = arith.constant 0 : i32
    %dma_start3A_998 = arith.constant 0 : i32
    %dma_start3A_999 = tpu.memref_slice %arg6[%dma_start3A_996, %dma_start3A_997, %dma_start3A_998] : memref<4x128x64xf32, #tpu.memory_space<vmem>> -> memref<1x128x64xf32, #tpu.memory_space<vmem>>
    %dma_start3A_1000 = tpu.memref_squeeze %dma_start3A_999 : memref<1x128x64xf32, #tpu.memory_space<vmem>> -> memref<128x64xf32, #tpu.memory_space<vmem>>
    %dma_start3A_1001 = arith.constant 2944 : i32
    %dma_start3A_1002 = tpu.memref_slice %arg5[%dma_start3A_1001] : memref<3328xi32, #tpu.memory_space<vmem>> -> memref<128xi32, #tpu.memory_space<vmem>>
    %dma_start3A_1003 = arith.constant 0 : i32
    %dma_start3A_1004 = arith.constant 0 : i32
    %dma_start3A_1005 = tpu.memref_slice %arg3[%dma_start3A_1003, %dma_start3A_1004] : memref<2600000x64xf32, #tpu.memory_space<hbm>> -> memref<2600000x64xf32, #tpu.memory_space<hbm>>
    tpu.enqueue_indirect_dma source(%dma_start3A_1005 : memref<2600000x64xf32, #tpu.memory_space<hbm>>) target(%dma_start3A_1000 : memref<128x64xf32, #tpu.memory_space<vmem>>) offsets(%dma_start3A_1002 : memref<128xi32, #tpu.memory_space<vmem>>) semaphore(%arg10 : memref<!tpu.dma_semaphore, #tpu.memory_space<semaphore_mem>>)
    %dma_wait3A_1006 = arith.constant 0 : i32
    %dma_wait3A_1007 = arith.constant 0 : i32
    %dma_wait3A_1008 = arith.constant 0 : i32
    %dma_wait3A_1009 = tpu.memref_slice %arg6[%dma_wait3A_1006, %dma_wait3A_1007, %dma_wait3A_1008] : memref<4x128x64xf32, #tpu.memory_space<vmem>> -> memref<1x128x64xf32, #tpu.memory_space<vmem>>
    %dma_wait3A_1010 = tpu.memref_squeeze %dma_wait3A_1009 : memref<1x128x64xf32, #tpu.memory_space<vmem>> -> memref<128x64xf32, #tpu.memory_space<vmem>>
    %dma_wait3A_1011 = arith.constant 2560 : i32
    %dma_wait3A_1012 = tpu.memref_slice %arg5[%dma_wait3A_1011] : memref<3328xi32, #tpu.memory_space<vmem>> -> memref<128xi32, #tpu.memory_space<vmem>>
    %dma_wait3A_1013 = arith.constant 0 : i32
    %dma_wait3A_1014 = arith.constant 0 : i32
    %dma_wait3A_1015 = tpu.memref_slice %arg3[%dma_wait3A_1013, %dma_wait3A_1014] : memref<2600000x64xf32, #tpu.memory_space<hbm>> -> memref<2600000x64xf32, #tpu.memory_space<hbm>>
    tpu.wait_indirect_dma semaphore(%arg7 : memref<!tpu.dma_semaphore, #tpu.memory_space<semaphore_mem>>) src(%dma_wait3A_1015 : memref<2600000x64xf32, #tpu.memory_space<hbm>>) dst(%dma_wait3A_1010 : memref<128x64xf32, #tpu.memory_space<vmem>>)
    %add3A_1016 = arith.constant 2560 : i32
    %add3A_1017 = arith.addi %mul3A_2, %add3A_1016 : i32
    %dma_start3A_1018 = arith.constant 0 : i32
    %dma_start3A_1019 = arith.constant 0 : i32
    %dma_start3A_1020 = arith.constant 0 : i32
    %dma_start3A_1021 = tpu.memref_slice %arg6[%dma_start3A_1018, %dma_start3A_1019, %dma_start3A_1020] : memref<4x128x64xf32, #tpu.memory_space<vmem>> -> memref<1x128x64xf32, #tpu.memory_space<vmem>>
    %dma_start3A_1022 = tpu.memref_squeeze %dma_start3A_1021 : memref<1x128x64xf32, #tpu.memory_space<vmem>> -> memref<128x64xf32, #tpu.memory_space<vmem>>
    %dma_start3A_1023 = arith.constant 0 : i32
    %dma_start3A_1024 = tpu.memref_slice %arg4[%add3A_1017, %dma_start3A_1023] : memref<106496x64xf32, #tpu.memory_space<hbm>> -> memref<128x64xf32, #tpu.memory_space<hbm>>
    %dma_start3A_1025 = arith.constant 0 : i32
    %dma_start3A_1026 = tpu.memref_slice %arg4[%add3A_1017, %dma_start3A_1025] : memref<106496x64xf32, #tpu.memory_space<hbm>> -> memref<128x64xf32, #tpu.memory_space<hbm>>
    %dma_start3A_1027 = arith.constant 0 : i32
    %dma_start3A_1028 = arith.constant 0 : i32
    %dma_start3A_1029 = tpu.memref_slice %arg6[%dma_start3A_1018, %dma_start3A_1027, %dma_start3A_1028] : memref<4x128x64xf32, #tpu.memory_space<vmem>> -> memref<1x128x64xf32, #tpu.memory_space<vmem>>
    %dma_start3A_1030 = tpu.memref_squeeze %dma_start3A_1029 : memref<1x128x64xf32, #tpu.memory_space<vmem>> -> memref<128x64xf32, #tpu.memory_space<vmem>>
    tpu.enqueue_dma source(%dma_start3A_1030 : memref<128x64xf32, #tpu.memory_space<vmem>>) target(%dma_start3A_1026 : memref<128x64xf32, #tpu.memory_space<hbm>>) target_semaphore(%arg11 : memref<!tpu.dma_semaphore, #tpu.memory_space<semaphore_mem>>)
    %dma_wait3A_1031 = arith.constant 0 : i32
    %dma_wait3A_1032 = arith.constant 0 : i32
    %dma_wait3A_1033 = arith.constant 0 : i32
    %dma_wait3A_1034 = tpu.memref_slice %arg6[%dma_wait3A_1031, %dma_wait3A_1032, %dma_wait3A_1033] : memref<4x128x64xf32, #tpu.memory_space<vmem>> -> memref<1x128x64xf32, #tpu.memory_space<vmem>>
    %dma_wait3A_1035 = tpu.memref_squeeze %dma_wait3A_1034 : memref<1x128x64xf32, #tpu.memory_space<vmem>> -> memref<128x64xf32, #tpu.memory_space<vmem>>
    %dma_wait3A_1036 = arith.constant 0 : i32
    %dma_wait3A_1037 = tpu.memref_slice %arg4[%add3A_1017, %dma_wait3A_1036] : memref<106496x64xf32, #tpu.memory_space<hbm>> -> memref<128x64xf32, #tpu.memory_space<hbm>>
    %dma_wait3A_1038 = arith.constant 0 : i32
    %dma_wait3A_1039 = tpu.memref_slice %arg4[%add3A_1017, %dma_wait3A_1038] : memref<106496x64xf32, #tpu.memory_space<hbm>> -> memref<128x64xf32, #tpu.memory_space<hbm>>
    %dma_wait3A_1040 = arith.constant 0 : i32
    %dma_wait3A_1041 = arith.constant 0 : i32
    %dma_wait3A_1042 = tpu.memref_slice %arg6[%dma_wait3A_1031, %dma_wait3A_1040, %dma_wait3A_1041] : memref<4x128x64xf32, #tpu.memory_space<vmem>> -> memref<1x128x64xf32, #tpu.memory_space<vmem>>
    %dma_wait3A_1043 = tpu.memref_squeeze %dma_wait3A_1042 : memref<1x128x64xf32, #tpu.memory_space<vmem>> -> memref<128x64xf32, #tpu.memory_space<vmem>>
    tpu.wait_dma2 semaphore(%arg11 : memref<!tpu.dma_semaphore, #tpu.memory_space<semaphore_mem>>) src(%dma_wait3A_1043 : memref<128x64xf32, #tpu.memory_space<vmem>>) dst(%dma_wait3A_1039 : memref<128x64xf32, #tpu.memory_space<hbm>>)
    %dma_start3A_1044 = arith.constant 0 : i32
    %dma_start3A_1045 = arith.constant 0 : i32
    %dma_start3A_1046 = arith.constant 0 : i32
    %dma_start3A_1047 = tpu.memref_slice %arg6[%dma_start3A_1044, %dma_start3A_1045, %dma_start3A_1046] : memref<4x128x64xf32, #tpu.memory_space<vmem>> -> memref<1x128x64xf32, #tpu.memory_space<vmem>>
    %dma_start3A_1048 = tpu.memref_squeeze %dma_start3A_1047 : memref<1x128x64xf32, #tpu.memory_space<vmem>> -> memref<128x64xf32, #tpu.memory_space<vmem>>
    %dma_start3A_1049 = arith.constant 3072 : i32
    %dma_start3A_1050 = tpu.memref_slice %arg5[%dma_start3A_1049] : memref<3328xi32, #tpu.memory_space<vmem>> -> memref<128xi32, #tpu.memory_space<vmem>>
    %dma_start3A_1051 = arith.constant 0 : i32
    %dma_start3A_1052 = arith.constant 0 : i32
    %dma_start3A_1053 = tpu.memref_slice %arg3[%dma_start3A_1051, %dma_start3A_1052] : memref<2600000x64xf32, #tpu.memory_space<hbm>> -> memref<2600000x64xf32, #tpu.memory_space<hbm>>
    tpu.enqueue_indirect_dma source(%dma_start3A_1053 : memref<2600000x64xf32, #tpu.memory_space<hbm>>) target(%dma_start3A_1048 : memref<128x64xf32, #tpu.memory_space<vmem>>) offsets(%dma_start3A_1050 : memref<128xi32, #tpu.memory_space<vmem>>) semaphore(%arg7 : memref<!tpu.dma_semaphore, #tpu.memory_space<semaphore_mem>>)
    %dma_wait3A_1054 = arith.constant 1 : i32
    %dma_wait3A_1055 = arith.constant 0 : i32
    %dma_wait3A_1056 = arith.constant 0 : i32
    %dma_wait3A_1057 = tpu.memref_slice %arg6[%dma_wait3A_1054, %dma_wait3A_1055, %dma_wait3A_1056] : memref<4x128x64xf32, #tpu.memory_space<vmem>> -> memref<1x128x64xf32, #tpu.memory_space<vmem>>
    %dma_wait3A_1058 = tpu.memref_squeeze %dma_wait3A_1057 : memref<1x128x64xf32, #tpu.memory_space<vmem>> -> memref<128x64xf32, #tpu.memory_space<vmem>>
    %dma_wait3A_1059 = arith.constant 2688 : i32
    %dma_wait3A_1060 = tpu.memref_slice %arg5[%dma_wait3A_1059] : memref<3328xi32, #tpu.memory_space<vmem>> -> memref<128xi32, #tpu.memory_space<vmem>>
    %dma_wait3A_1061 = arith.constant 0 : i32
    %dma_wait3A_1062 = arith.constant 0 : i32
    %dma_wait3A_1063 = tpu.memref_slice %arg3[%dma_wait3A_1061, %dma_wait3A_1062] : memref<2600000x64xf32, #tpu.memory_space<hbm>> -> memref<2600000x64xf32, #tpu.memory_space<hbm>>
    tpu.wait_indirect_dma semaphore(%arg8 : memref<!tpu.dma_semaphore, #tpu.memory_space<semaphore_mem>>) src(%dma_wait3A_1063 : memref<2600000x64xf32, #tpu.memory_space<hbm>>) dst(%dma_wait3A_1058 : memref<128x64xf32, #tpu.memory_space<vmem>>)
    %add3A_1064 = arith.constant 2688 : i32
    %add3A_1065 = arith.addi %mul3A_2, %add3A_1064 : i32
    %dma_start3A_1066 = arith.constant 1 : i32
    %dma_start3A_1067 = arith.constant 0 : i32
    %dma_start3A_1068 = arith.constant 0 : i32
    %dma_start3A_1069 = tpu.memref_slice %arg6[%dma_start3A_1066, %dma_start3A_1067, %dma_start3A_1068] : memref<4x128x64xf32, #tpu.memory_space<vmem>> -> memref<1x128x64xf32, #tpu.memory_space<vmem>>
    %dma_start3A_1070 = tpu.memref_squeeze %dma_start3A_1069 : memref<1x128x64xf32, #tpu.memory_space<vmem>> -> memref<128x64xf32, #tpu.memory_space<vmem>>
    %dma_start3A_1071 = arith.constant 0 : i32
    %dma_start3A_1072 = tpu.memref_slice %arg4[%add3A_1065, %dma_start3A_1071] : memref<106496x64xf32, #tpu.memory_space<hbm>> -> memref<128x64xf32, #tpu.memory_space<hbm>>
    %dma_start3A_1073 = arith.constant 0 : i32
    %dma_start3A_1074 = tpu.memref_slice %arg4[%add3A_1065, %dma_start3A_1073] : memref<106496x64xf32, #tpu.memory_space<hbm>> -> memref<128x64xf32, #tpu.memory_space<hbm>>
    %dma_start3A_1075 = arith.constant 0 : i32
    %dma_start3A_1076 = arith.constant 0 : i32
    %dma_start3A_1077 = tpu.memref_slice %arg6[%dma_start3A_1066, %dma_start3A_1075, %dma_start3A_1076] : memref<4x128x64xf32, #tpu.memory_space<vmem>> -> memref<1x128x64xf32, #tpu.memory_space<vmem>>
    %dma_start3A_1078 = tpu.memref_squeeze %dma_start3A_1077 : memref<1x128x64xf32, #tpu.memory_space<vmem>> -> memref<128x64xf32, #tpu.memory_space<vmem>>
    tpu.enqueue_dma source(%dma_start3A_1078 : memref<128x64xf32, #tpu.memory_space<vmem>>) target(%dma_start3A_1074 : memref<128x64xf32, #tpu.memory_space<hbm>>) target_semaphore(%arg12 : memref<!tpu.dma_semaphore, #tpu.memory_space<semaphore_mem>>)
    %dma_wait3A_1079 = arith.constant 1 : i32
    %dma_wait3A_1080 = arith.constant 0 : i32
    %dma_wait3A_1081 = arith.constant 0 : i32
    %dma_wait3A_1082 = tpu.memref_slice %arg6[%dma_wait3A_1079, %dma_wait3A_1080, %dma_wait3A_1081] : memref<4x128x64xf32, #tpu.memory_space<vmem>> -> memref<1x128x64xf32, #tpu.memory_space<vmem>>
    %dma_wait3A_1083 = tpu.memref_squeeze %dma_wait3A_1082 : memref<1x128x64xf32, #tpu.memory_space<vmem>> -> memref<128x64xf32, #tpu.memory_space<vmem>>
    %dma_wait3A_1084 = arith.constant 0 : i32
    %dma_wait3A_1085 = tpu.memref_slice %arg4[%add3A_1065, %dma_wait3A_1084] : memref<106496x64xf32, #tpu.memory_space<hbm>> -> memref<128x64xf32, #tpu.memory_space<hbm>>
    %dma_wait3A_1086 = arith.constant 0 : i32
    %dma_wait3A_1087 = tpu.memref_slice %arg4[%add3A_1065, %dma_wait3A_1086] : memref<106496x64xf32, #tpu.memory_space<hbm>> -> memref<128x64xf32, #tpu.memory_space<hbm>>
    %dma_wait3A_1088 = arith.constant 0 : i32
    %dma_wait3A_1089 = arith.constant 0 : i32
    %dma_wait3A_1090 = tpu.memref_slice %arg6[%dma_wait3A_1079, %dma_wait3A_1088, %dma_wait3A_1089] : memref<4x128x64xf32, #tpu.memory_space<vmem>> -> memref<1x128x64xf32, #tpu.memory_space<vmem>>
    %dma_wait3A_1091 = tpu.memref_squeeze %dma_wait3A_1090 : memref<1x128x64xf32, #tpu.memory_space<vmem>> -> memref<128x64xf32, #tpu.memory_space<vmem>>
    tpu.wait_dma2 semaphore(%arg12 : memref<!tpu.dma_semaphore, #tpu.memory_space<semaphore_mem>>) src(%dma_wait3A_1091 : memref<128x64xf32, #tpu.memory_space<vmem>>) dst(%dma_wait3A_1087 : memref<128x64xf32, #tpu.memory_space<hbm>>)
    %dma_start3A_1092 = arith.constant 1 : i32
    %dma_start3A_1093 = arith.constant 0 : i32
    %dma_start3A_1094 = arith.constant 0 : i32
    %dma_start3A_1095 = tpu.memref_slice %arg6[%dma_start3A_1092, %dma_start3A_1093, %dma_start3A_1094] : memref<4x128x64xf32, #tpu.memory_space<vmem>> -> memref<1x128x64xf32, #tpu.memory_space<vmem>>
    %dma_start3A_1096 = tpu.memref_squeeze %dma_start3A_1095 : memref<1x128x64xf32, #tpu.memory_space<vmem>> -> memref<128x64xf32, #tpu.memory_space<vmem>>
    %dma_start3A_1097 = arith.constant 3200 : i32
    %dma_start3A_1098 = tpu.memref_slice %arg5[%dma_start3A_1097] : memref<3328xi32, #tpu.memory_space<vmem>> -> memref<128xi32, #tpu.memory_space<vmem>>
    %dma_start3A_1099 = arith.constant 0 : i32
    %dma_start3A_1100 = arith.constant 0 : i32
    %dma_start3A_1101 = tpu.memref_slice %arg3[%dma_start3A_1099, %dma_start3A_1100] : memref<2600000x64xf32, #tpu.memory_space<hbm>> -> memref<2600000x64xf32, #tpu.memory_space<hbm>>
    tpu.enqueue_indirect_dma source(%dma_start3A_1101 : memref<2600000x64xf32, #tpu.memory_space<hbm>>) target(%dma_start3A_1096 : memref<128x64xf32, #tpu.memory_space<vmem>>) offsets(%dma_start3A_1098 : memref<128xi32, #tpu.memory_space<vmem>>) semaphore(%arg8 : memref<!tpu.dma_semaphore, #tpu.memory_space<semaphore_mem>>)
    %dma_wait3A_1102 = arith.constant 2 : i32
    %dma_wait3A_1103 = arith.constant 0 : i32
    %dma_wait3A_1104 = arith.constant 0 : i32
    %dma_wait3A_1105 = tpu.memref_slice %arg6[%dma_wait3A_1102, %dma_wait3A_1103, %dma_wait3A_1104] : memref<4x128x64xf32, #tpu.memory_space<vmem>> -> memref<1x128x64xf32, #tpu.memory_space<vmem>>
    %dma_wait3A_1106 = tpu.memref_squeeze %dma_wait3A_1105 : memref<1x128x64xf32, #tpu.memory_space<vmem>> -> memref<128x64xf32, #tpu.memory_space<vmem>>
    %dma_wait3A_1107 = arith.constant 2816 : i32
    %dma_wait3A_1108 = tpu.memref_slice %arg5[%dma_wait3A_1107] : memref<3328xi32, #tpu.memory_space<vmem>> -> memref<128xi32, #tpu.memory_space<vmem>>
    %dma_wait3A_1109 = arith.constant 0 : i32
    %dma_wait3A_1110 = arith.constant 0 : i32
    %dma_wait3A_1111 = tpu.memref_slice %arg3[%dma_wait3A_1109, %dma_wait3A_1110] : memref<2600000x64xf32, #tpu.memory_space<hbm>> -> memref<2600000x64xf32, #tpu.memory_space<hbm>>
    tpu.wait_indirect_dma semaphore(%arg9 : memref<!tpu.dma_semaphore, #tpu.memory_space<semaphore_mem>>) src(%dma_wait3A_1111 : memref<2600000x64xf32, #tpu.memory_space<hbm>>) dst(%dma_wait3A_1106 : memref<128x64xf32, #tpu.memory_space<vmem>>)
    %add3A_1112 = arith.constant 2816 : i32
    %add3A_1113 = arith.addi %mul3A_2, %add3A_1112 : i32
    %dma_start3A_1114 = arith.constant 2 : i32
    %dma_start3A_1115 = arith.constant 0 : i32
    %dma_start3A_1116 = arith.constant 0 : i32
    %dma_start3A_1117 = tpu.memref_slice %arg6[%dma_start3A_1114, %dma_start3A_1115, %dma_start3A_1116] : memref<4x128x64xf32, #tpu.memory_space<vmem>> -> memref<1x128x64xf32, #tpu.memory_space<vmem>>
    %dma_start3A_1118 = tpu.memref_squeeze %dma_start3A_1117 : memref<1x128x64xf32, #tpu.memory_space<vmem>> -> memref<128x64xf32, #tpu.memory_space<vmem>>
    %dma_start3A_1119 = arith.constant 0 : i32
    %dma_start3A_1120 = tpu.memref_slice %arg4[%add3A_1113, %dma_start3A_1119] : memref<106496x64xf32, #tpu.memory_space<hbm>> -> memref<128x64xf32, #tpu.memory_space<hbm>>
    %dma_start3A_1121 = arith.constant 0 : i32
    %dma_start3A_1122 = tpu.memref_slice %arg4[%add3A_1113, %dma_start3A_1121] : memref<106496x64xf32, #tpu.memory_space<hbm>> -> memref<128x64xf32, #tpu.memory_space<hbm>>
    %dma_start3A_1123 = arith.constant 0 : i32
    %dma_start3A_1124 = arith.constant 0 : i32
    %dma_start3A_1125 = tpu.memref_slice %arg6[%dma_start3A_1114, %dma_start3A_1123, %dma_start3A_1124] : memref<4x128x64xf32, #tpu.memory_space<vmem>> -> memref<1x128x64xf32, #tpu.memory_space<vmem>>
    %dma_start3A_1126 = tpu.memref_squeeze %dma_start3A_1125 : memref<1x128x64xf32, #tpu.memory_space<vmem>> -> memref<128x64xf32, #tpu.memory_space<vmem>>
    tpu.enqueue_dma source(%dma_start3A_1126 : memref<128x64xf32, #tpu.memory_space<vmem>>) target(%dma_start3A_1122 : memref<128x64xf32, #tpu.memory_space<hbm>>) target_semaphore(%arg13 : memref<!tpu.dma_semaphore, #tpu.memory_space<semaphore_mem>>)
    %dma_wait3A_1127 = arith.constant 3 : i32
    %dma_wait3A_1128 = arith.constant 0 : i32
    %dma_wait3A_1129 = arith.constant 0 : i32
    %dma_wait3A_1130 = tpu.memref_slice %arg6[%dma_wait3A_1127, %dma_wait3A_1128, %dma_wait3A_1129] : memref<4x128x64xf32, #tpu.memory_space<vmem>> -> memref<1x128x64xf32, #tpu.memory_space<vmem>>
    %dma_wait3A_1131 = tpu.memref_squeeze %dma_wait3A_1130 : memref<1x128x64xf32, #tpu.memory_space<vmem>> -> memref<128x64xf32, #tpu.memory_space<vmem>>
    %dma_wait3A_1132 = arith.constant 2944 : i32
    %dma_wait3A_1133 = tpu.memref_slice %arg5[%dma_wait3A_1132] : memref<3328xi32, #tpu.memory_space<vmem>> -> memref<128xi32, #tpu.memory_space<vmem>>
    %dma_wait3A_1134 = arith.constant 0 : i32
    %dma_wait3A_1135 = arith.constant 0 : i32
    %dma_wait3A_1136 = tpu.memref_slice %arg3[%dma_wait3A_1134, %dma_wait3A_1135] : memref<2600000x64xf32, #tpu.memory_space<hbm>> -> memref<2600000x64xf32, #tpu.memory_space<hbm>>
    tpu.wait_indirect_dma semaphore(%arg10 : memref<!tpu.dma_semaphore, #tpu.memory_space<semaphore_mem>>) src(%dma_wait3A_1136 : memref<2600000x64xf32, #tpu.memory_space<hbm>>) dst(%dma_wait3A_1131 : memref<128x64xf32, #tpu.memory_space<vmem>>)
    %add3A_1137 = arith.constant 2944 : i32
    %add3A_1138 = arith.addi %mul3A_2, %add3A_1137 : i32
    %dma_start3A_1139 = arith.constant 3 : i32
    %dma_start3A_1140 = arith.constant 0 : i32
    %dma_start3A_1141 = arith.constant 0 : i32
    %dma_start3A_1142 = tpu.memref_slice %arg6[%dma_start3A_1139, %dma_start3A_1140, %dma_start3A_1141] : memref<4x128x64xf32, #tpu.memory_space<vmem>> -> memref<1x128x64xf32, #tpu.memory_space<vmem>>
    %dma_start3A_1143 = tpu.memref_squeeze %dma_start3A_1142 : memref<1x128x64xf32, #tpu.memory_space<vmem>> -> memref<128x64xf32, #tpu.memory_space<vmem>>
    %dma_start3A_1144 = arith.constant 0 : i32
    %dma_start3A_1145 = tpu.memref_slice %arg4[%add3A_1138, %dma_start3A_1144] : memref<106496x64xf32, #tpu.memory_space<hbm>> -> memref<128x64xf32, #tpu.memory_space<hbm>>
    %dma_start3A_1146 = arith.constant 0 : i32
    %dma_start3A_1147 = tpu.memref_slice %arg4[%add3A_1138, %dma_start3A_1146] : memref<106496x64xf32, #tpu.memory_space<hbm>> -> memref<128x64xf32, #tpu.memory_space<hbm>>
    %dma_start3A_1148 = arith.constant 0 : i32
    %dma_start3A_1149 = arith.constant 0 : i32
    %dma_start3A_1150 = tpu.memref_slice %arg6[%dma_start3A_1139, %dma_start3A_1148, %dma_start3A_1149] : memref<4x128x64xf32, #tpu.memory_space<vmem>> -> memref<1x128x64xf32, #tpu.memory_space<vmem>>
    %dma_start3A_1151 = tpu.memref_squeeze %dma_start3A_1150 : memref<1x128x64xf32, #tpu.memory_space<vmem>> -> memref<128x64xf32, #tpu.memory_space<vmem>>
    tpu.enqueue_dma source(%dma_start3A_1151 : memref<128x64xf32, #tpu.memory_space<vmem>>) target(%dma_start3A_1147 : memref<128x64xf32, #tpu.memory_space<hbm>>) target_semaphore(%arg14 : memref<!tpu.dma_semaphore, #tpu.memory_space<semaphore_mem>>)
    %dma_wait3A_1152 = arith.constant 0 : i32
    %dma_wait3A_1153 = arith.constant 0 : i32
    %dma_wait3A_1154 = arith.constant 0 : i32
    %dma_wait3A_1155 = tpu.memref_slice %arg6[%dma_wait3A_1152, %dma_wait3A_1153, %dma_wait3A_1154] : memref<4x128x64xf32, #tpu.memory_space<vmem>> -> memref<1x128x64xf32, #tpu.memory_space<vmem>>
    %dma_wait3A_1156 = tpu.memref_squeeze %dma_wait3A_1155 : memref<1x128x64xf32, #tpu.memory_space<vmem>> -> memref<128x64xf32, #tpu.memory_space<vmem>>
    %dma_wait3A_1157 = arith.constant 3072 : i32
    %dma_wait3A_1158 = tpu.memref_slice %arg5[%dma_wait3A_1157] : memref<3328xi32, #tpu.memory_space<vmem>> -> memref<128xi32, #tpu.memory_space<vmem>>
    %dma_wait3A_1159 = arith.constant 0 : i32
    %dma_wait3A_1160 = arith.constant 0 : i32
    %dma_wait3A_1161 = tpu.memref_slice %arg3[%dma_wait3A_1159, %dma_wait3A_1160] : memref<2600000x64xf32, #tpu.memory_space<hbm>> -> memref<2600000x64xf32, #tpu.memory_space<hbm>>
    tpu.wait_indirect_dma semaphore(%arg7 : memref<!tpu.dma_semaphore, #tpu.memory_space<semaphore_mem>>) src(%dma_wait3A_1161 : memref<2600000x64xf32, #tpu.memory_space<hbm>>) dst(%dma_wait3A_1156 : memref<128x64xf32, #tpu.memory_space<vmem>>)
    %add3A_1162 = arith.constant 3072 : i32
    %add3A_1163 = arith.addi %mul3A_2, %add3A_1162 : i32
    %dma_start3A_1164 = arith.constant 0 : i32
    %dma_start3A_1165 = arith.constant 0 : i32
    %dma_start3A_1166 = arith.constant 0 : i32
    %dma_start3A_1167 = tpu.memref_slice %arg6[%dma_start3A_1164, %dma_start3A_1165, %dma_start3A_1166] : memref<4x128x64xf32, #tpu.memory_space<vmem>> -> memref<1x128x64xf32, #tpu.memory_space<vmem>>
    %dma_start3A_1168 = tpu.memref_squeeze %dma_start3A_1167 : memref<1x128x64xf32, #tpu.memory_space<vmem>> -> memref<128x64xf32, #tpu.memory_space<vmem>>
    %dma_start3A_1169 = arith.constant 0 : i32
    %dma_start3A_1170 = tpu.memref_slice %arg4[%add3A_1163, %dma_start3A_1169] : memref<106496x64xf32, #tpu.memory_space<hbm>> -> memref<128x64xf32, #tpu.memory_space<hbm>>
    %dma_start3A_1171 = arith.constant 0 : i32
    %dma_start3A_1172 = tpu.memref_slice %arg4[%add3A_1163, %dma_start3A_1171] : memref<106496x64xf32, #tpu.memory_space<hbm>> -> memref<128x64xf32, #tpu.memory_space<hbm>>
    %dma_start3A_1173 = arith.constant 0 : i32
    %dma_start3A_1174 = arith.constant 0 : i32
    %dma_start3A_1175 = tpu.memref_slice %arg6[%dma_start3A_1164, %dma_start3A_1173, %dma_start3A_1174] : memref<4x128x64xf32, #tpu.memory_space<vmem>> -> memref<1x128x64xf32, #tpu.memory_space<vmem>>
    %dma_start3A_1176 = tpu.memref_squeeze %dma_start3A_1175 : memref<1x128x64xf32, #tpu.memory_space<vmem>> -> memref<128x64xf32, #tpu.memory_space<vmem>>
    tpu.enqueue_dma source(%dma_start3A_1176 : memref<128x64xf32, #tpu.memory_space<vmem>>) target(%dma_start3A_1172 : memref<128x64xf32, #tpu.memory_space<hbm>>) target_semaphore(%arg11 : memref<!tpu.dma_semaphore, #tpu.memory_space<semaphore_mem>>)
    %dma_wait3A_1177 = arith.constant 1 : i32
    %dma_wait3A_1178 = arith.constant 0 : i32
    %dma_wait3A_1179 = arith.constant 0 : i32
    %dma_wait3A_1180 = tpu.memref_slice %arg6[%dma_wait3A_1177, %dma_wait3A_1178, %dma_wait3A_1179] : memref<4x128x64xf32, #tpu.memory_space<vmem>> -> memref<1x128x64xf32, #tpu.memory_space<vmem>>
    %dma_wait3A_1181 = tpu.memref_squeeze %dma_wait3A_1180 : memref<1x128x64xf32, #tpu.memory_space<vmem>> -> memref<128x64xf32, #tpu.memory_space<vmem>>
    %dma_wait3A_1182 = arith.constant 3200 : i32
    %dma_wait3A_1183 = tpu.memref_slice %arg5[%dma_wait3A_1182] : memref<3328xi32, #tpu.memory_space<vmem>> -> memref<128xi32, #tpu.memory_space<vmem>>
    %dma_wait3A_1184 = arith.constant 0 : i32
    %dma_wait3A_1185 = arith.constant 0 : i32
    %dma_wait3A_1186 = tpu.memref_slice %arg3[%dma_wait3A_1184, %dma_wait3A_1185] : memref<2600000x64xf32, #tpu.memory_space<hbm>> -> memref<2600000x64xf32, #tpu.memory_space<hbm>>
    tpu.wait_indirect_dma semaphore(%arg8 : memref<!tpu.dma_semaphore, #tpu.memory_space<semaphore_mem>>) src(%dma_wait3A_1186 : memref<2600000x64xf32, #tpu.memory_space<hbm>>) dst(%dma_wait3A_1181 : memref<128x64xf32, #tpu.memory_space<vmem>>)
    %add3A_1187 = arith.constant 3200 : i32
    %add3A_1188 = arith.addi %mul3A_2, %add3A_1187 : i32
    %dma_start3A_1189 = arith.constant 1 : i32
    %dma_start3A_1190 = arith.constant 0 : i32
    %dma_start3A_1191 = arith.constant 0 : i32
    %dma_start3A_1192 = tpu.memref_slice %arg6[%dma_start3A_1189, %dma_start3A_1190, %dma_start3A_1191] : memref<4x128x64xf32, #tpu.memory_space<vmem>> -> memref<1x128x64xf32, #tpu.memory_space<vmem>>
    %dma_start3A_1193 = tpu.memref_squeeze %dma_start3A_1192 : memref<1x128x64xf32, #tpu.memory_space<vmem>> -> memref<128x64xf32, #tpu.memory_space<vmem>>
    %dma_start3A_1194 = arith.constant 0 : i32
    %dma_start3A_1195 = tpu.memref_slice %arg4[%add3A_1188, %dma_start3A_1194] : memref<106496x64xf32, #tpu.memory_space<hbm>> -> memref<128x64xf32, #tpu.memory_space<hbm>>
    %dma_start3A_1196 = arith.constant 0 : i32
    %dma_start3A_1197 = tpu.memref_slice %arg4[%add3A_1188, %dma_start3A_1196] : memref<106496x64xf32, #tpu.memory_space<hbm>> -> memref<128x64xf32, #tpu.memory_space<hbm>>
    %dma_start3A_1198 = arith.constant 0 : i32
    %dma_start3A_1199 = arith.constant 0 : i32
    %dma_start3A_1200 = tpu.memref_slice %arg6[%dma_start3A_1189, %dma_start3A_1198, %dma_start3A_1199] : memref<4x128x64xf32, #tpu.memory_space<vmem>> -> memref<1x128x64xf32, #tpu.memory_space<vmem>>
    %dma_start3A_1201 = tpu.memref_squeeze %dma_start3A_1200 : memref<1x128x64xf32, #tpu.memory_space<vmem>> -> memref<128x64xf32, #tpu.memory_space<vmem>>
    tpu.enqueue_dma source(%dma_start3A_1201 : memref<128x64xf32, #tpu.memory_space<vmem>>) target(%dma_start3A_1197 : memref<128x64xf32, #tpu.memory_space<hbm>>) target_semaphore(%arg12 : memref<!tpu.dma_semaphore, #tpu.memory_space<semaphore_mem>>)
    %dma_wait3A_1202 = arith.constant 2 : i32
    %dma_wait3A_1203 = arith.constant 0 : i32
    %dma_wait3A_1204 = arith.constant 0 : i32
    %dma_wait3A_1205 = tpu.memref_slice %arg6[%dma_wait3A_1202, %dma_wait3A_1203, %dma_wait3A_1204] : memref<4x128x64xf32, #tpu.memory_space<vmem>> -> memref<1x128x64xf32, #tpu.memory_space<vmem>>
    %dma_wait3A_1206 = tpu.memref_squeeze %dma_wait3A_1205 : memref<1x128x64xf32, #tpu.memory_space<vmem>> -> memref<128x64xf32, #tpu.memory_space<vmem>>
    %dma_wait3A_1207 = arith.constant 0 : i32
    %dma_wait3A_1208 = tpu.memref_slice %arg4[%add3A_1113, %dma_wait3A_1207] : memref<106496x64xf32, #tpu.memory_space<hbm>> -> memref<128x64xf32, #tpu.memory_space<hbm>>
    %dma_wait3A_1209 = arith.constant 0 : i32
    %dma_wait3A_1210 = tpu.memref_slice %arg4[%add3A_1113, %dma_wait3A_1209] : memref<106496x64xf32, #tpu.memory_space<hbm>> -> memref<128x64xf32, #tpu.memory_space<hbm>>
    %dma_wait3A_1211 = arith.constant 0 : i32
    %dma_wait3A_1212 = arith.constant 0 : i32
    %dma_wait3A_1213 = tpu.memref_slice %arg6[%dma_wait3A_1202, %dma_wait3A_1211, %dma_wait3A_1212] : memref<4x128x64xf32, #tpu.memory_space<vmem>> -> memref<1x128x64xf32, #tpu.memory_space<vmem>>
    %dma_wait3A_1214 = tpu.memref_squeeze %dma_wait3A_1213 : memref<1x128x64xf32, #tpu.memory_space<vmem>> -> memref<128x64xf32, #tpu.memory_space<vmem>>
    tpu.wait_dma2 semaphore(%arg13 : memref<!tpu.dma_semaphore, #tpu.memory_space<semaphore_mem>>) src(%dma_wait3A_1214 : memref<128x64xf32, #tpu.memory_space<vmem>>) dst(%dma_wait3A_1210 : memref<128x64xf32, #tpu.memory_space<hbm>>)
    %dma_wait3A_1215 = arith.constant 3 : i32
    %dma_wait3A_1216 = arith.constant 0 : i32
    %dma_wait3A_1217 = arith.constant 0 : i32
    %dma_wait3A_1218 = tpu.memref_slice %arg6[%dma_wait3A_1215, %dma_wait3A_1216, %dma_wait3A_1217] : memref<4x128x64xf32, #tpu.memory_space<vmem>> -> memref<1x128x64xf32, #tpu.memory_space<vmem>>
    %dma_wait3A_1219 = tpu.memref_squeeze %dma_wait3A_1218 : memref<1x128x64xf32, #tpu.memory_space<vmem>> -> memref<128x64xf32, #tpu.memory_space<vmem>>
    %dma_wait3A_1220 = arith.constant 0 : i32
    %dma_wait3A_1221 = tpu.memref_slice %arg4[%add3A_1138, %dma_wait3A_1220] : memref<106496x64xf32, #tpu.memory_space<hbm>> -> memref<128x64xf32, #tpu.memory_space<hbm>>
    %dma_wait3A_1222 = arith.constant 0 : i32
    %dma_wait3A_1223 = tpu.memref_slice %arg4[%add3A_1138, %dma_wait3A_1222] : memref<106496x64xf32, #tpu.memory_space<hbm>> -> memref<128x64xf32, #tpu.memory_space<hbm>>
    %dma_wait3A_1224 = arith.constant 0 : i32
    %dma_wait3A_1225 = arith.constant 0 : i32
    %dma_wait3A_1226 = tpu.memref_slice %arg6[%dma_wait3A_1215, %dma_wait3A_1224, %dma_wait3A_1225] : memref<4x128x64xf32, #tpu.memory_space<vmem>> -> memref<1x128x64xf32, #tpu.memory_space<vmem>>
    %dma_wait3A_1227 = tpu.memref_squeeze %dma_wait3A_1226 : memref<1x128x64xf32, #tpu.memory_space<vmem>> -> memref<128x64xf32, #tpu.memory_space<vmem>>
    tpu.wait_dma2 semaphore(%arg14 : memref<!tpu.dma_semaphore, #tpu.memory_space<semaphore_mem>>) src(%dma_wait3A_1227 : memref<128x64xf32, #tpu.memory_space<vmem>>) dst(%dma_wait3A_1223 : memref<128x64xf32, #tpu.memory_space<hbm>>)
    %dma_wait3A_1228 = arith.constant 0 : i32
    %dma_wait3A_1229 = arith.constant 0 : i32
    %dma_wait3A_1230 = arith.constant 0 : i32
    %dma_wait3A_1231 = tpu.memref_slice %arg6[%dma_wait3A_1228, %dma_wait3A_1229, %dma_wait3A_1230] : memref<4x128x64xf32, #tpu.memory_space<vmem>> -> memref<1x128x64xf32, #tpu.memory_space<vmem>>
    %dma_wait3A_1232 = tpu.memref_squeeze %dma_wait3A_1231 : memref<1x128x64xf32, #tpu.memory_space<vmem>> -> memref<128x64xf32, #tpu.memory_space<vmem>>
    %dma_wait3A_1233 = arith.constant 0 : i32
    %dma_wait3A_1234 = tpu.memref_slice %arg4[%add3A_1163, %dma_wait3A_1233] : memref<106496x64xf32, #tpu.memory_space<hbm>> -> memref<128x64xf32, #tpu.memory_space<hbm>>
    %dma_wait3A_1235 = arith.constant 0 : i32
    %dma_wait3A_1236 = tpu.memref_slice %arg4[%add3A_1163, %dma_wait3A_1235] : memref<106496x64xf32, #tpu.memory_space<hbm>> -> memref<128x64xf32, #tpu.memory_space<hbm>>
    %dma_wait3A_1237 = arith.constant 0 : i32
    %dma_wait3A_1238 = arith.constant 0 : i32
    %dma_wait3A_1239 = tpu.memref_slice %arg6[%dma_wait3A_1228, %dma_wait3A_1237, %dma_wait3A_1238] : memref<4x128x64xf32, #tpu.memory_space<vmem>> -> memref<1x128x64xf32, #tpu.memory_space<vmem>>
    %dma_wait3A_1240 = tpu.memref_squeeze %dma_wait3A_1239 : memref<1x128x64xf32, #tpu.memory_space<vmem>> -> memref<128x64xf32, #tpu.memory_space<vmem>>
    tpu.wait_dma2 semaphore(%arg11 : memref<!tpu.dma_semaphore, #tpu.memory_space<semaphore_mem>>) src(%dma_wait3A_1240 : memref<128x64xf32, #tpu.memory_space<vmem>>) dst(%dma_wait3A_1236 : memref<128x64xf32, #tpu.memory_space<hbm>>)
    %dma_wait3A_1241 = arith.constant 1 : i32
    %dma_wait3A_1242 = arith.constant 0 : i32
    %dma_wait3A_1243 = arith.constant 0 : i32
    %dma_wait3A_1244 = tpu.memref_slice %arg6[%dma_wait3A_1241, %dma_wait3A_1242, %dma_wait3A_1243] : memref<4x128x64xf32, #tpu.memory_space<vmem>> -> memref<1x128x64xf32, #tpu.memory_space<vmem>>
    %dma_wait3A_1245 = tpu.memref_squeeze %dma_wait3A_1244 : memref<1x128x64xf32, #tpu.memory_space<vmem>> -> memref<128x64xf32, #tpu.memory_space<vmem>>
    %dma_wait3A_1246 = arith.constant 0 : i32
    %dma_wait3A_1247 = tpu.memref_slice %arg4[%add3A_1188, %dma_wait3A_1246] : memref<106496x64xf32, #tpu.memory_space<hbm>> -> memref<128x64xf32, #tpu.memory_space<hbm>>
    %dma_wait3A_1248 = arith.constant 0 : i32
    %dma_wait3A_1249 = tpu.memref_slice %arg4[%add3A_1188, %dma_wait3A_1248] : memref<106496x64xf32, #tpu.memory_space<hbm>> -> memref<128x64xf32, #tpu.memory_space<hbm>>
    %dma_wait3A_1250 = arith.constant 0 : i32
    %dma_wait3A_1251 = arith.constant 0 : i32
    %dma_wait3A_1252 = tpu.memref_slice %arg6[%dma_wait3A_1241, %dma_wait3A_1250, %dma_wait3A_1251] : memref<4x128x64xf32, #tpu.memory_space<vmem>> -> memref<1x128x64xf32, #tpu.memory_space<vmem>>
    %dma_wait3A_1253 = tpu.memref_squeeze %dma_wait3A_1252 : memref<1x128x64xf32, #tpu.memory_space<vmem>> -> memref<128x64xf32, #tpu.memory_space<vmem>>
    tpu.wait_dma2 semaphore(%arg12 : memref<!tpu.dma_semaphore, #tpu.memory_space<semaphore_mem>>) src(%dma_wait3A_1253 : memref<128x64xf32, #tpu.memory_space<vmem>>) dst(%dma_wait3A_1249 : memref<128x64xf32, #tpu.memory_space<hbm>>)
    return
  }
}

</mosaic_0001>

<sc_bundles>
// kernel: kernel.3.cloned.1.call-start
scs
__scs_entry_jumppad:
0x0: {  	(pc) =	sbr.rel $0x88, $3  }
0x1: {  	(tag) =	ssettag $0x0;
	lr =	simm.s32 $0x1  }
0x2: {  	[smem:$0x3F9F] =	sst lr;
	_ =	strace $0xD0000000  }
0x3: {  	_ = 	snop  }
0x4: {  	_ = 	snop  }
0x5: {  	_ = 	snop  }
0x6: {  	_ = 	snop  }
0x7: {  	_ = 	snop  }
__scs_overlays_trampoline_lowered:
0x8: {  	[smem:$0x3FAE] =	sst s0  }
0x9: {  	[smem:$0x3FAF] =	sst s1  }
0xa: {  	[smem:$0x3FB0] =	sst s2  }
0xb: {  	[smem:$0x3FB1] =	sst s3  }
0xc: {  	[smem:$0x3FB2] =	sst s4  }
0xd: {  	[smem:$0x3FB3] =	sst s5  }
0xe: {  	[smem:$0x3FB4] =	sst s6  }
0xf: {  	[smem:$0x3FB5] =	sst s7  }
0x10: {  	[smem:$0x3FB6] =	sst s8  }
0x11: {  	[smem:$0x3FB7] =	sst s9;
	s0 =	simm.s32 @!p0 $0x0  }
0x12: {  	s1 =	sld [smem:$0x3F9D];
	s0 =	simm.s32 @p0 $0x1  }
0x13: {  	[smem:$0x3FB8] =	sst s0;
	s0 =	simm.s32 @!p1 $0x0  }
0x14: {  	s2 =	sld [smem:$0x3F9C];
	s0 =	simm.s32 @p1 $0x1  }
0x15: {  	[smem:$0x3FB9] =	sst s0;
	s0 =	simm.s32 @!p2 $0x0  }
0x16: {  	s3 =	sld [smem:$0x3FDB];
	s0 =	simm.s32 @p2 $0x1  }
0x17: {  	s4 =	simm.s32 $0x1BF5;
	[smem:$0x3FBB] =	sst s0  }
0x18: {  	s0 =	sld [smem:$0x3F9E];
	_ =	swait.ge [sflag:s4], $0x0  }
0x19: {  	s7 =	sld [smem:$0x3F9F]  }
0x1a: {  	s8 =	sadd.s32 $0xFFFFE003, lr  }
0x1b: {  	s9 =	sadd.s32 $0xFFFFFEF7, lr;
	s5 =	simm.s32 $0xFFFFFFFF;
	p2 =	slt.u32 s8, $0xFFFFF086  }
0x1c: {  	p1 =	slt.u32 s9, $0xF7A;
	s5 =	simm.s32 @!p2 $0x0  }
0x1d: {  	s5 =	simm.s32 @p1 $0x1;
	p0 =	seq.s32 s7, s2  }
0x1e: {  	s7 =	smul.u32 @!p0 $0xF7A, s2;
	p2 =	seq.s32 @!p0 s5, $0x0  }
0x1f: {  	s9 =	smul.u32 $0xF7A, s1;
	s8 =	simm.s32 @!p0 $0x1BF5;
	p2 =	por !p2, p0  }
0x20: {  	[sflag:s8] =	ssyncset.s32 @!p0 $0xFFFFF086;
	s6 =	sadd.s32 @!p0 s3, s7;
	s7 =	simm.s32 @!p0 $0x108  }
0x21: {  	s3 =	sadd.s32 s3, s9;
	s6 =	sadd.s32 @!p0 $0x88, s6;
	s7 =	simm.s32 @p2 $0x1082  }
0x22: {  	[simem:s7], [sflag:s8] =	dma.local @!p0 [hbm:s6], $0xF7A  }
0x23: {  	s9 =	sor.u32 $0xD0000000, s2;
	s6 =	simm.s32 $0x108;
	_ =	swait.ge @!p0 [sflag:s8], $0x0  }
0x24: {  	s3 =	sadd.s32 $0x88, s3;
	s6 =	simm.s32 @!p1 $0x1082;
	[sflag:s4] =	ssyncset.s32 $0xFFFFF086  }
0x25: {  	[simem:s6], [sflag:s4] =	dma.local [hbm:s3], $0xF7A  }
0x26: {  	[smem:$0x3F9F] =	sst s1;
	(tag) =	ssettag s2;
	_ =	strace s9  }
0x27: {  	s1 =	sld [smem:$0x3FAF]  }
0x28: {  	s2 =	sld [smem:$0x3FB0]  }
0x29: {  	s4 =	sld [smem:$0x3FB2]  }
0x2a: {  	p0 =	seq.s32 s5, $0x0;
	s5 =	sld [smem:$0x3FB3]  }
0x2b: {  	s6 =	sld [smem:$0x3FB4]  }
0x2c: {  	s7 =	sld [smem:$0x3FB5]  }
0x2d: {  	s3 =	simm.s32 $0x108;
	s8 =	sld [smem:$0x3FB6]  }
0x2e: {  	s3 =	simm.s32 @!p0 $0x1082;
	s9 =	sld [smem:$0x3FB7]  }
0x2f: {  	lr =	sadd.s32 s0, s3;
	s0 =	sld [smem:$0x3FAE]  }
0x30: {  	s3 =	sld [smem:$0x3FB1]  }
0x31: {  	[smem:$0x3FBA] =	sst s10  }
0x32: {  	s10 =	sld [smem:$0x3FB8];
	_ =	sdelay $0x3  }
0x33: {  	p0 =	seq.s32 s10, $0x1;
	s10 =	sld [smem:$0x3FBA];
	_ =	sdelay $0x3  }
0x34: {  	[smem:$0x3FBA] =	sst s10  }
0x35: {  	s10 =	sld [smem:$0x3FB9];
	_ =	sdelay $0x3  }
0x36: {  	p1 =	seq.s32 s10, $0x1;
	s10 =	sld [smem:$0x3FBA];
	_ =	sdelay $0x3  }
0x37: {  	[smem:$0x3FBA] =	sst s10  }
0x38: {  	s10 =	sld [smem:$0x3FBB]  }
0x39: {  	_ = 	snop;
	(pc) =	sbr.ind lr, $3  }
0x3a: {  	_ = 	snop  }
0x3b: {  	_ = 	snop  }
0x3c: {  	p2 =	seq.s32 s10, $0x1;
	s10 =	sld [smem:$0x3FBA]  }
0x3d: {  	_ =	shalt  }
0x3e: {  	_ =	shalt  }
0x3f: {  	_ =	shalt  }
0x40: {  	_ =	shalt  }
0x41: {  	_ =	shalt  }
0x42: {  	_ =	shalt  }
0x43: {  	_ =	shalt  }
0x44: {  	_ =	shalt  }
0x45: {  	_ =	shalt  }
0x46: {  	_ =	shalt  }
0x47: {  	_ =	shalt  }
0x48: {  	_ =	shalt  }
0x49: {  	_ =	shalt  }
0x4a: {  	_ =	shalt  }
0x4b: {  	_ =	shalt  }
0x4c: {  	_ =	shalt  }
0x4d: {  	_ =	shalt  }
0x4e: {  	_ =	shalt  }
0x4f: {  	_ =	shalt  }
0x50: {  	_ =	shalt  }
0x51: {  	_ =	shalt  }
0x52: {  	_ =	shalt  }
0x53: {  	_ =	shalt  }
0x54: {  	_ =	shalt  }
0x55: {  	_ =	shalt  }
0x56: {  	_ =	shalt  }
0x57: {  	_ =	shalt  }
0x58: {  	_ =	shalt  }
0x59: {  	_ =	shalt  }
0x5a: {  	_ =	shalt  }
0x5b: {  	_ =	shalt  }
0x5c: {  	_ =	shalt  }
0x5d: {  	_ =	shalt  }
0x5e: {  	_ =	shalt  }
0x5f: {  	_ =	shalt  }
0x60: {  	_ =	shalt  }
0x61: {  	_ =	shalt  }
0x62: {  	_ =	shalt  }
0x63: {  	_ =	shalt  }
0x64: {  	_ =	shalt  }
0x65: {  	_ =	shalt  }
0x66: {  	_ =	shalt  }
0x67: {  	_ =	shalt  }
0x68: {  	_ =	shalt  }
0x69: {  	_ =	shalt  }
0x6a: {  	_ =	shalt  }
0x6b: {  	_ =	shalt  }
0x6c: {  	_ =	shalt  }
0x6d: {  	_ =	shalt  }
0x6e: {  	_ =	shalt  }
0x6f: {  	_ =	shalt  }
0x70: {  	_ =	shalt  }
0x71: {  	_ =	shalt  }
0x72: {  	_ =	shalt  }
0x73: {  	_ =	shalt  }
0x74: {  	_ =	shalt  }
0x75: {  	_ =	shalt  }
0x76: {  	_ =	shalt  }
0x77: {  	_ =	shalt  }
0x78: {  	_ =	shalt  }
0x79: {  	_ =	shalt  }
0x7a: {  	_ =	shalt  }
0x7b: {  	_ =	shalt  }
0x7c: {  	_ =	shalt  }
0x7d: {  	_ =	shalt  }
0x7e: {  	_ =	shalt  }
0x7f: {  	_ =	shalt  }
0x80: {  	_ =	shalt  }
0x81: {  	_ =	shalt  }
0x82: {  	_ =	shalt  }
0x83: {  	_ =	shalt  }
0x84: {  	_ =	shalt  }
0x85: {  	_ =	shalt  }
0x86: {  	_ =	shalt  }
0x87: {  	_ =	shalt  }
.Lfunc_end0:
.L_simem_size_0:
called_computation_lowered:
.L_overlay_start_0:
0x88: {  	s2 =	sld [smem:$0x3FD9]  }
0x89: {  	s3 =	sld [smem:$0x3FFE];
	_ =	sdelay $0x1  }
0x8a: {  	s1 =	srdreg.scid  }
0x8b: {  	s0 =	sand.u32 $0x1, s1  }
0x8c: {  	s17 =	sshll.u32 s0, $0xA;
	s2 =	sadd.s32 s3, s2  }
0x8d: {  	s2 =	sadd.s32 s2, s17  }
0x8e: {  	[smem:$0x3FC6] =	sst s2  }
0x8f: {  	_ = 	snop  }
0x90: {  	s2 =	sld [smem:$0x3FD0];
	(tm) =	ssettm $0x1  }
0x91: {  	s18 =	sld [smem:$0x3FFB];
	_ =	sdelay $0x3  }
0x92: {  	_ =	strace s18  }
0x93: {  	s3 =	sld [smem:$0x3FFC];
	_ =	sdelay $0x3  }
0x94: {  	_ =	strace s3  }
0x95: {  	s3 =	sld [smem:$0x3FFD];
	_ =	sdelay $0x3  }
0x96: {  	_ =	strace s3  }
0x97: {  	_ =	strace $0x8FFFFFFF  }
0x98: {  	s19 =	sld [smem:$0x3FDB];
	_ =	sdelay $0x1  }
0x99: {  	s4 =	simm.s32 $_scs_section_size  }
0x9a: {  	s5 =	simm.s32 $_size__tile_overlayer_lowered;
	s6 =	simm.s32 $_tile_overlayer_lowered  }
0x9b: {  	s22 =	simm.s32 $0x1BFF;
	s21 =	sshll.u32 s6, $0x1;
	s3 =	sadd.s32 s4, s19  }
0x9c: {  	s7 =	simm.s32 $0x0;
	s20 =	sshll.u32 s5, $0x1;
	s5 =	sadd.s32 s21, s3  }
0x9d: {  	[timem:s7], [sflag:s22] =	dma.local [hbm:s5], s20  }
0x9e: {  	_ =	swait.ge [sflag:s22], s20  }
0x9f: {  	s4 =	ssub.s32 $0x0, s20;
	[sflag:s22] =	ssyncset.done $0x0  }
0xa0: {  	[sflag:s22] =	ssyncadd.s32 s4;
	_ =	sdelay $0x1  }
0xa1: {  	s23 =	simm.s32 $0x1B8B  }
0xa2: {  	_ =	swait.ge [sflag:s23], $0x1  }
0xa3: {  	[sflag:s23] =	ssyncset.done $0x0  }
0xa4: {  	s25 =	simm.s32 $0x1B8E;
	s24 =	sld [smem:$0x3FFE];
	[sflag:s23] =	ssyncadd.s32 $0xFFFFFFFF  }
0xa5: {  	s26 =	simm.s32 $execute0_lowered;
	[smem:$0x3FD2] =	sst s25  }
0xa6: {  	s5 =	sshll.u32 s26, $0x1;
	_ =	strace $0x80000046;
	[dreg:$0x1] =	wrdreg $0xFFFFFFFF  }
0xa7: {  	s28 =	simm.s32 $_size_execute0_lowered;
	s3 =	sadd.s32 s3, s5;
	[dreg:$0x0] =	wrdreg $0x0  }
0xa8: {  	s5 =	sshll.u32 s28, $0x1;
	[dreg:$0x2] =	wrdreg s3  }
0xa9: {  	[dreg:$0x3] =	wrdreg s5  }
0xaa: {  	[dreg:$0x4] =	wrdreg $0xC0  }
0xab: {  	_ =	task [dreg:s7], $0x5FFFF  }
0xac: {  	[dreg:$0x1] =	wrdreg $0xFFFFFFFF  }
0xad: {  	[dreg:$0x0] =	wrdreg $0x60  }
0xae: {  	[dreg:$0x2] =	wrdreg s24  }
0xaf: {  	[dreg:$0x3] =	wrdreg s2  }
0xb0: {  	[dreg:$0x4] =	wrdreg $0x9  }
0xb1: {  	_ =	task.clear_ibuf [dreg:s7], $0x5FFFF;
	_ =	strace $0x90000046  }
0xb2: {  	s29 =	simm.s32 $0x9;
	_ =	strace $0x80000048  }
0xb3: {  	_ =	swait.ge [sflag:s29], $0x1  }
0xb4: {  	[sflag:s29] =	ssyncadd.s32 $0xFFFFFFFF  }
0xb5: {  	_ =	strace $0x90000048  }
0xb6: {  	_ =	sfence  }
0xb7: {  	s30 =	sld [smem:$0x0];
	_ =	sdelay $0x2  }
0xb8: {  	s31 =	sshll.u32 s1, $0xD;
	s1 =	sshrl.u32 s1, $0x2  }
0xb9: {  	s3 =	sand.u32 $0x4000, s31;
	s1 =	sadd.s32 s1, s30  }
0xba: {  	s0 =	sor.u32 s3, s0;
	s1 =	sshll.u32 s1, $0x11  }
0xbb: {  	s0 =	sor.u32 s1, s0  }
0xbc: {  	s0 =	sadd.s32 $0x8F2B, s0  }
0xbd: {  	[sflag:s0] =	ssyncadd.remote.s32 $0x1  }
0xbe: {  	_ =	sfence.sel $0xFFFF  }
0xbf: {  	[dreg:$0x0] =	wrdreg $0xFFFFFFFF;
	(pc) =	sbr.abs _section_cstart, $3  }
0xc0: {  	[dreg:$0x1] =	wrdreg $0xFFFFFFFF  }
0xc1: {  	_ =	task.clear_ibuf [dreg:s7], $0x2FFFF;
	_ =	strace $0x9FFFFFFF  }
0xc2: {  	(tm) =	ssettm $0x7FFFFFFF  }
0xc3: {  	_ =	shalt  }
tec
execute0_lowered:
.L_overlay_start_1:
0x0: {  	(tag) =	ssettag $0x1  }
0x1: {  	s0 =	srdreg.scid;
	s9 =	stileid.u32  }
0x2: {  	s0 =	sand.u32 $0x1, s0;
	s2 =	sshll.u32 s9, $0x1  }
0x3: {  	s1 =	rddreg [dreg:$0x0];
	s5 =	sor.u32 s0, s2  }
0x4: {  	s4 =	rddreg [dreg:$0x1];
	s3 =	smul.u32 $0xD00, s5  }
0x5: {  	s2 =	simm.s32 $0x0;
	s26 =	ssub.s32 $0x2, s0;
	s6 =	smul.u32 $0x34000, s5  }
0x6: {  	[smem:$0x7FF] =	sst s2;
	s8 =	sshrl.u32 s26, $0x1;
	s3 =	sshrl.u32 s3, $0x3  }
0x7: {  	_ =	strace $0x80000047;
	s6 =	sshrl.u32 s6, $0x3;
	s7 =	sadd.s32 s3, s1  }
0x8: {  	s3 =	sadd.s32 $0x27ACA00, s1;
	s6 =	sadd.s32 s4, s6;
	s7 =	sadd.s32 $0x600, s7  }
0x9: {  	s1 =	ssub.s32 s26, s8;
	s8 =	sadd.s32 $0xC00, s6;
	[dreg:$0x3] =	wrdreg s7  }
0xa: {  	s10 =	sadd.s32 $0x1000, s6;
	[dreg:$0x5] =	wrdreg s8  }
0xb: {  	s11 =	sadd.s32 $0x1400, s6;
	[dreg:$0x6] =	wrdreg s10  }
0xc: {  	s12 =	sadd.s32 $0x1800, s6;
	[dreg:$0x7] =	wrdreg s11  }
0xd: {  	s13 =	sadd.s32 $0x1C00, s6;
	[dreg:$0x8] =	wrdreg s12  }
0xe: {  	s14 =	sadd.s32 $0x2000, s6;
	[dreg:$0x9] =	wrdreg s13  }
0xf: {  	s18 =	smul.u32 $0x1A00, s9;
	s15 =	sadd.s32 $0x2400, s6;
	[dreg:$0xa] =	wrdreg s14  }
0x10: {  	s9 =	simm.s32 $0x4D00;
	s16 =	sadd.s32 $0x2800, s6;
	[dreg:$0xb] =	wrdreg s15  }
0x11: {  	s5 =	smul.u32 $0x6800, s5;
	s17 =	sadd.s32 $0x2C00, s6;
	[dreg:$0xc] =	wrdreg s16  }
0x12: {  	s0 =	smul.u32 $0xD00, s0;
	s19 =	sadd.s32 $0x3000, s6;
	[dreg:$0xd] =	wrdreg s17  }
0x13: {  	s5 =	sadd.s32 s4, s5;
	s20 =	sadd.s32 $0x3400, s6;
	[dreg:$0xe] =	wrdreg s19  }
0x14: {  	s4 =	simm.s32 $0x9;
	s21 =	sadd.s32 $0x3800, s6;
	[dreg:$0xf] =	wrdreg s20  }
0x15: {  	s22 =	sadd.s32 $0x3C00, s6;
	s23 =	sadd.s32 $0x4000, s6;
	[dreg:$0x10] =	wrdreg s21  }
0x16: {  	s24 =	sadd.s32 $0x4400, s6;
	s25 =	sadd.s32 $0x4800, s6;
	[dreg:$0x11] =	wrdreg s22  }
0x17: {  	s26 =	sadd.s32 $0x4C00, s6;
	s28 =	sadd.s32 $0x5800, s6;
	[dreg:$0x12] =	wrdreg s23  }
0x18: {  	s29 =	sadd.s32 $0x5C00, s6;
	s30 =	sadd.s32 $0x6000, s6;
	[dreg:$0x13] =	wrdreg s24  }
0x19: {  	s31 =	sadd.s32 $0x6400, s6;
	s1 =	smax.u32 s1, $0x1;
	[dreg:$0x14] =	wrdreg s25  }
0x1a: {  	s7 =	sadd.s32 $0x800, s6;
	s22 =	sadd.s32 s0, s18;
	[dreg:$0x15] =	wrdreg s26  }
0x1b: {  	s25 =	sadd.s32 $0x5000, s6;
	s26 =	sadd.s32 $0x5400, s6;
	s24 =	smov.u32 s5  }
0x1c: {  	s0 =	sadd.s32 $0x400, s5;
	s6 =	simm.s32 $0x80;
	s8 =	simm.s32 $0x2D00  }
0x1d: {  	s10 =	simm.s32 $0x6D00;
	s11 =	simm.s32 $0x1;
	s12 =	simm.s32 $0x5  }
0x1e: {  	s13 =	simm.s32 $0x2;
	s14 =	simm.s32 $0x6;
	s15 =	simm.s32 $0x3  }
0x1f: {  	s5 =	simm.s32 $0x7;
	s16 =	simm.s32 $0x4;
	s17 =	simm.s32 $0x8  }
0x20: {  	v0 =	vlaneseq.u32;
	s18 =	simm.s32 $0x0;
	[dreg:$0x4] =	wrdreg s7;
	s7 =	simm.s32 $0xD00  }
.LBB2_1:
0x21: {  	v1 =	vor.u32 s22, v0  }
0x22: {  	s19 =	rddreg [dreg:$0x3];
	v2 =	vmulhi.u32 $0x4EC4EC4F, v1  }
0x23: {  	[tilespmem:s2], [sflag:$0x9] =	stream.linear.gather [hbm4b:s19+s2], $0xD00, $0x38;
	[tilespmem:$0x8D00] =	vst v63  }
0x24: {  	_ =	swait.ge [sflag:s4], $0xD00;
	v2 =	vshrl.u32 v2, $0x3  }
0x25: {  	[sflag:s4] =	ssyncset.done $0x0;
	v2 =	vmul.u32 $0x1A, v2  }
0x26: {  	s19 =	simm.s32 $0x0;
	[sflag:s4] =	ssyncadd.s32 $0xFFFFF300  }
0x27: {  	v3 =	vsub.s32 v1, v2;
	v2 =	vld [tilespmem:s19+$0x0];
	_ =	sdelay $0x1  }
0x28: {  	s21 =	sadd.s32 $0x10, s22  }
0x29: {  	s20 =	simm.s32 $0x40;
	s23 =	simm.s32 $0x80;
	v1 =	vor.u32 s21, v0;
	v3 =	vmul.u32 $0x186A0, v3  }
.LBB2_2:
0x2a: {  	p0 =	sne.s32 s23, $0x33C0;
	v4 =	vmulhi.u32 $0x4EC4EC4F, v1  }
0x2b: {  	v2 =	vadd.s32 v3, v2  }
.Ltmp0:
0x2c: {  	v3 =	vshrl.u32 v4, $0x3;
	[tilespmem:s19+$0x0] =	vst v2;
	s19 =	sshra.s32 s20, $0x2;
	s20 =	smov.u32 s23;
	(pc) =	sbr.rel @p0 .LBB2_2-.Ltmp0, $3  }
0x2d: {  	v3 =	vmul.u32 $0x1A, v3;
	v2 =	vld [tilespmem:s19+$0x0];
	_ =	sdelay $0x1  }
0x2e: {  	s21 =	sadd.s32 $0x10, s21;
	v3 =	vsub.s32 v1, v3  }
0x2f: {  	s23 =	sadd.s32 $0x40, s23;
	v1 =	vor.u32 s21, v0;
	v3 =	vmul.u32 $0x186A0, v3  }
0x30: {  	v4 =	vmulhi.u32 $0x4EC4EC4F, v1  }
0x31: {  	v2 =	vadd.s32 v3, v2  }
0x32: {  	s23 =	sshra.s32 s20, $0x2;
	[tilespmem:s19+$0x0] =	vst v2;
	v2 =	vshrl.u32 v4, $0x3  }
0x33: {  	v2 =	vmul.u32 $0x1A, v2;
	v3 =	vld [tilespmem:s23+$0x0];
	_ =	sdelay $0x1  }
0x34: {  	v1 =	vsub.s32 v1, v2  }
0x35: {  	v1 =	vmul.u32 $0x186A0, v1;
	_ =	sdelay $0x1  }
0x36: {  	v1 =	vadd.s32 v1, v3  }
0x37: {  	[tilespmem:s23+$0x0] =	vst v1  }
0x38: {  	[bflag:$0x0] =	sbarrier.arrive $0xFFFF  }
0x39: {  	[tilespmem:s7], [sflag:$0x1] =	stream.indirect.gather [hbm4b:s3+s6], $0x40, s2, s6, $0xb8;
	[tilespmem:$0x8D00] =	vst v63  }
0x3a: {  	_ = 	snop  }
0x3b: {  	[tilespmem:s8], [sflag:$0x2] =	stream.indirect.gather [hbm4b:s3+s6], $0x40, s6, s6, $0xb8;
	[tilespmem:$0x8D00] =	vst v63  }
0x3c: {  	s20 =	simm.s32 $0x100  }
0x3d: {  	[tilespmem:s9], [sflag:$0x3] =	stream.indirect.gather [hbm4b:s3+s6], $0x40, s20, s6, $0xb8;
	[tilespmem:$0x8D00] =	vst v63  }
0x3e: {  	s21 =	simm.s32 $0x180  }
0x3f: {  	[tilespmem:s10], [sflag:$0x4] =	stream.indirect.gather [hbm4b:s3+s6], $0x40, s21, s6, $0xb8;
	[tilespmem:$0x8D00] =	vst v63  }
0x40: {  	_ =	swait.ge [sflag:s11], $0x2000  }
0x41: {  	[sflag:s11] =	ssyncset.done $0x0  }
0x42: {  	[sflag:s11] =	ssyncadd.s32 $0xFFFFE000  }
0x43: {  	[hbm4b:s24+s2] =	stream.linear.scatter [tilespmem:s7], [sflag:$0x5], $0x2000, $0x38;
	[tilespmem:$0x8D00] =	vst v63  }
0x44: {  	_ =	swait.ge [sflag:s12], $0x2000  }
0x45: {  	[sflag:s12] =	ssyncset.done $0x0  }
0x46: {  	s23 =	simm.s32 $0x200;
	[sflag:s12] =	ssyncadd.s32 $0xFFFFE000  }
0x47: {  	[tilespmem:s7], [sflag:$0x1] =	stream.indirect.gather [hbm4b:s3+s6], $0x40, s23, s6, $0xb8;
	[tilespmem:$0x8D00] =	vst v63  }
0x48: {  	_ =	swait.ge [sflag:s13], $0x2000  }
0x49: {  	[sflag:s13] =	ssyncset.done $0x0  }
0x4a: {  	[sflag:s13] =	ssyncadd.s32 $0xFFFFE000  }
0x4b: {  	[hbm4b:s0+s2] =	stream.linear.scatter [tilespmem:s8], [sflag:$0x6], $0x2000, $0x38;
	[tilespmem:$0x8D00] =	vst v63  }
0x4c: {  	_ =	swait.ge [sflag:s14], $0x2000  }
0x4d: {  	[sflag:s14] =	ssyncset.done $0x0  }
0x4e: {  	s20 =	simm.s32 $0x280;
	[sflag:s14] =	ssyncadd.s32 $0xFFFFE000  }
0x4f: {  	[tilespmem:s8], [sflag:$0x2] =	stream.indirect.gather [hbm4b:s3+s6], $0x40, s20, s6, $0xb8;
	[tilespmem:$0x8D00] =	vst v63  }
0x50: {  	_ =	swait.ge [sflag:s15], $0x2000  }
0x51: {  	[sflag:s15] =	ssyncset.done $0x0  }
0x52: {  	s21 =	rddreg [dreg:$0x4];
	[sflag:s15] =	ssyncadd.s32 $0xFFFFE000  }
0x53: {  	[hbm4b:s21+s2] =	stream.linear.scatter [tilespmem:s9], [sflag:$0x7], $0x2000, $0x38;
	[tilespmem:$0x8D00] =	vst v63  }
0x54: {  	_ =	swait.ge [sflag:s5], $0x2000  }
0x55: {  	[sflag:s5] =	ssyncset.done $0x0  }
0x56: {  	s23 =	simm.s32 $0x300;
	[sflag:s5] =	ssyncadd.s32 $0xFFFFE000  }
0x57: {  	[tilespmem:s9], [sflag:$0x3] =	stream.indirect.gather [hbm4b:s3+s6], $0x40, s23, s6, $0xb8;
	[tilespmem:$0x8D00] =	vst v63  }
0x58: {  	_ =	swait.ge [sflag:s16], $0x2000  }
0x59: {  	[sflag:s16] =	ssyncset.done $0x0  }
0x5a: {  	s20 =	rddreg [dreg:$0x5];
	[sflag:s16] =	ssyncadd.s32 $0xFFFFE000  }
0x5b: {  	[hbm4b:s20+s2] =	stream.linear.scatter [tilespmem:s10], [sflag:$0x8], $0x2000, $0x38;
	[tilespmem:$0x8D00] =	vst v63  }
0x5c: {  	_ =	swait.ge [sflag:s17], $0x2000  }
0x5d: {  	[sflag:s17] =	ssyncset.done $0x0  }
0x5e: {  	s21 =	simm.s32 $0x380;
	[sflag:s17] =	ssyncadd.s32 $0xFFFFE000  }
0x5f: {  	[tilespmem:s10], [sflag:$0x4] =	stream.indirect.gather [hbm4b:s3+s6], $0x40, s21, s6, $0xb8;
	[tilespmem:$0x8D00] =	vst v63  }
0x60: {  	_ =	swait.ge [sflag:s11], $0x2000  }
0x61: {  	[sflag:s11] =	ssyncset.done $0x0  }
0x62: {  	s23 =	rddreg [dreg:$0x6];
	[sflag:s11] =	ssyncadd.s32 $0xFFFFE000  }
0x63: {  	[hbm4b:s23+s2] =	stream.linear.scatter [tilespmem:s7], [sflag:$0x5], $0x2000, $0x38;
	[tilespmem:$0x8D00] =	vst v63  }
0x64: {  	_ =	swait.ge [sflag:s12], $0x2000  }
0x65: {  	[sflag:s12] =	ssyncset.done $0x0  }
0x66: {  	s20 =	simm.s32 $0x400;
	[sflag:s12] =	ssyncadd.s32 $0xFFFFE000  }
0x67: {  	[tilespmem:s7], [sflag:$0x1] =	stream.indirect.gather [hbm4b:s3+s6], $0x40, s20, s6, $0xb8;
	[tilespmem:$0x8D00] =	vst v63  }
0x68: {  	_ =	swait.ge [sflag:s13], $0x2000  }
0x69: {  	[sflag:s13] =	ssyncset.done $0x0  }
0x6a: {  	s21 =	rddreg [dreg:$0x7];
	[sflag:s13] =	ssyncadd.s32 $0xFFFFE000  }
0x6b: {  	[hbm4b:s21+s2] =	stream.linear.scatter [tilespmem:s8], [sflag:$0x6], $0x2000, $0x38;
	[tilespmem:$0x8D00] =	vst v63  }
0x6c: {  	_ =	swait.ge [sflag:s14], $0x2000  }
0x6d: {  	[sflag:s14] =	ssyncset.done $0x0  }
0x6e: {  	s23 =	simm.s32 $0x480;
	[sflag:s14] =	ssyncadd.s32 $0xFFFFE000  }
0x6f: {  	[tilespmem:s8], [sflag:$0x2] =	stream.indirect.gather [hbm4b:s3+s6], $0x40, s23, s6, $0xb8;
	[tilespmem:$0x8D00] =	vst v63  }
0x70: {  	_ =	swait.ge [sflag:s15], $0x2000  }
0x71: {  	[sflag:s15] =	ssyncset.done $0x0  }
0x72: {  	s20 =	rddreg [dreg:$0x8];
	[sflag:s15] =	ssyncadd.s32 $0xFFFFE000  }
0x73: {  	[hbm4b:s20+s2] =	stream.linear.scatter [tilespmem:s9], [sflag:$0x7], $0x2000, $0x38;
	[tilespmem:$0x8D00] =	vst v63  }
0x74: {  	_ =	swait.ge [sflag:s5], $0x2000  }
0x75: {  	[sflag:s5] =	ssyncset.done $0x0  }
0x76: {  	s21 =	simm.s32 $0x500;
	[sflag:s5] =	ssyncadd.s32 $0xFFFFE000  }
0x77: {  	[tilespmem:s9], [sflag:$0x3] =	stream.indirect.gather [hbm4b:s3+s6], $0x40, s21, s6, $0xb8;
	[tilespmem:$0x8D00] =	vst v63  }
0x78: {  	_ =	swait.ge [sflag:s16], $0x2000  }
0x79: {  	[sflag:s16] =	ssyncset.done $0x0  }
0x7a: {  	s23 =	rddreg [dreg:$0x9];
	[sflag:s16] =	ssyncadd.s32 $0xFFFFE000  }
0x7b: {  	[hbm4b:s23+s2] =	stream.linear.scatter [tilespmem:s10], [sflag:$0x8], $0x2000, $0x38;
	[tilespmem:$0x8D00] =	vst v63  }
0x7c: {  	_ =	swait.ge [sflag:s17], $0x2000  }
0x7d: {  	[sflag:s17] =	ssyncset.done $0x0  }
0x7e: {  	s20 =	simm.s32 $0x580;
	[sflag:s17] =	ssyncadd.s32 $0xFFFFE000  }
0x7f: {  	[tilespmem:s10], [sflag:$0x4] =	stream.indirect.gather [hbm4b:s3+s6], $0x40, s20, s6, $0xb8;
	[tilespmem:$0x8D00] =	vst v63  }
0x80: {  	_ =	swait.ge [sflag:s11], $0x2000  }
0x81: {  	[sflag:s11] =	ssyncset.done $0x0  }
0x82: {  	s21 =	rddreg [dreg:$0xa];
	[sflag:s11] =	ssyncadd.s32 $0xFFFFE000  }
0x83: {  	[hbm4b:s21+s2] =	stream.linear.scatter [tilespmem:s7], [sflag:$0x5], $0x2000, $0x38;
	[tilespmem:$0x8D00] =	vst v63  }
0x84: {  	_ =	swait.ge [sflag:s12], $0x2000  }
0x85: {  	[sflag:s12] =	ssyncset.done $0x0  }
0x86: {  	s23 =	simm.s32 $0x600;
	[sflag:s12] =	ssyncadd.s32 $0xFFFFE000  }
0x87: {  	[tilespmem:s7], [sflag:$0x1] =	stream.indirect.gather [hbm4b:s3+s6], $0x40, s23, s6, $0xb8;
	[tilespmem:$0x8D00] =	vst v63  }
0x88: {  	_ =	swait.ge [sflag:s13], $0x2000  }
0x89: {  	[sflag:s13] =	ssyncset.done $0x0  }
0x8a: {  	s20 =	rddreg [dreg:$0xb];
	[sflag:s13] =	ssyncadd.s32 $0xFFFFE000  }
0x8b: {  	[hbm4b:s20+s2] =	stream.linear.scatter [tilespmem:s8], [sflag:$0x6], $0x2000, $0x38;
	[tilespmem:$0x8D00] =	vst v63  }
0x8c: {  	_ =	swait.ge [sflag:s14], $0x2000  }
0x8d: {  	[sflag:s14] =	ssyncset.done $0x0  }
0x8e: {  	s21 =	simm.s32 $0x680;
	[sflag:s14] =	ssyncadd.s32 $0xFFFFE000  }
0x8f: {  	[tilespmem:s8], [sflag:$0x2] =	stream.indirect.gather [hbm4b:s3+s6], $0x40, s21, s6, $0xb8;
	[tilespmem:$0x8D00] =	vst v63  }
0x90: {  	_ =	swait.ge [sflag:s15], $0x2000  }
0x91: {  	[sflag:s15] =	ssyncset.done $0x0  }
0x92: {  	s23 =	rddreg [dreg:$0xc];
	[sflag:s15] =	ssyncadd.s32 $0xFFFFE000  }
0x93: {  	[hbm4b:s23+s2] =	stream.linear.scatter [tilespmem:s9], [sflag:$0x7], $0x2000, $0x38;
	[tilespmem:$0x8D00] =	vst v63  }
0x94: {  	_ =	swait.ge [sflag:s5], $0x2000  }
0x95: {  	[sflag:s5] =	ssyncset.done $0x0  }
0x96: {  	s20 =	simm.s32 $0x700;
	[sflag:s5] =	ssyncadd.s32 $0xFFFFE000  }
0x97: {  	[tilespmem:s9], [sflag:$0x3] =	stream.indirect.gather [hbm4b:s3+s6], $0x40, s20, s6, $0xb8;
	[tilespmem:$0x8D00] =	vst v63  }
0x98: {  	_ =	swait.ge [sflag:s16], $0x2000  }
0x99: {  	[sflag:s16] =	ssyncset.done $0x0  }
0x9a: {  	s21 =	rddreg [dreg:$0xd];
	[sflag:s16] =	ssyncadd.s32 $0xFFFFE000  }
0x9b: {  	[hbm4b:s21+s2] =	stream.linear.scatter [tilespmem:s10], [sflag:$0x8], $0x2000, $0x38;
	[tilespmem:$0x8D00] =	vst v63  }
0x9c: {  	_ =	swait.ge [sflag:s17], $0x2000  }
0x9d: {  	[sflag:s17] =	ssyncset.done $0x0  }
0x9e: {  	s23 =	simm.s32 $0x780;
	[sflag:s17] =	ssyncadd.s32 $0xFFFFE000  }
0x9f: {  	[tilespmem:s10], [sflag:$0x4] =	stream.indirect.gather [hbm4b:s3+s6], $0x40, s23, s6, $0xb8;
	[tilespmem:$0x8D00] =	vst v63  }
0xa0: {  	_ =	swait.ge [sflag:s11], $0x2000  }
0xa1: {  	[sflag:s11] =	ssyncset.done $0x0  }
0xa2: {  	s20 =	rddreg [dreg:$0xe];
	[sflag:s11] =	ssyncadd.s32 $0xFFFFE000  }
0xa3: {  	[hbm4b:s20+s2] =	stream.linear.scatter [tilespmem:s7], [sflag:$0x5], $0x2000, $0x38;
	[tilespmem:$0x8D00] =	vst v63  }
0xa4: {  	_ =	swait.ge [sflag:s12], $0x2000  }
0xa5: {  	[sflag:s12] =	ssyncset.done $0x0  }
0xa6: {  	s21 =	simm.s32 $0x800;
	[sflag:s12] =	ssyncadd.s32 $0xFFFFE000  }
0xa7: {  	[tilespmem:s7], [sflag:$0x1] =	stream.indirect.gather [hbm4b:s3+s6], $0x40, s21, s6, $0xb8;
	[tilespmem:$0x8D00] =	vst v63  }
0xa8: {  	_ =	swait.ge [sflag:s13], $0x2000  }
0xa9: {  	[sflag:s13] =	ssyncset.done $0x0  }
0xaa: {  	s23 =	rddreg [dreg:$0xf];
	[sflag:s13] =	ssyncadd.s32 $0xFFFFE000  }
0xab: {  	[hbm4b:s23+s2] =	stream.linear.scatter [tilespmem:s8], [sflag:$0x6], $0x2000, $0x38;
	[tilespmem:$0x8D00] =	vst v63  }
0xac: {  	_ =	swait.ge [sflag:s14], $0x2000  }
0xad: {  	[sflag:s14] =	ssyncset.done $0x0  }
0xae: {  	s20 =	simm.s32 $0x880;
	[sflag:s14] =	ssyncadd.s32 $0xFFFFE000  }
0xaf: {  	[tilespmem:s8], [sflag:$0x2] =	stream.indirect.gather [hbm4b:s3+s6], $0x40, s20, s6, $0xb8;
	[tilespmem:$0x8D00] =	vst v63  }
0xb0: {  	_ =	swait.ge [sflag:s15], $0x2000  }
0xb1: {  	[sflag:s15] =	ssyncset.done $0x0  }
0xb2: {  	s21 =	rddreg [dreg:$0x10];
	[sflag:s15] =	ssyncadd.s32 $0xFFFFE000  }
0xb3: {  	[hbm4b:s21+s2] =	stream.linear.scatter [tilespmem:s9], [sflag:$0x7], $0x2000, $0x38;
	[tilespmem:$0x8D00] =	vst v63  }
0xb4: {  	_ =	swait.ge [sflag:s5], $0x2000  }
0xb5: {  	[sflag:s5] =	ssyncset.done $0x0  }
0xb6: {  	s23 =	simm.s32 $0x900;
	[sflag:s5] =	ssyncadd.s32 $0xFFFFE000  }
0xb7: {  	[tilespmem:s9], [sflag:$0x3] =	stream.indirect.gather [hbm4b:s3+s6], $0x40, s23, s6, $0xb8;
	[tilespmem:$0x8D00] =	vst v63  }
0xb8: {  	_ =	swait.ge [sflag:s16], $0x2000  }
0xb9: {  	[sflag:s16] =	ssyncset.done $0x0  }
0xba: {  	s20 =	rddreg [dreg:$0x11];
	[sflag:s16] =	ssyncadd.s32 $0xFFFFE000  }
0xbb: {  	[hbm4b:s20+s2] =	stream.linear.scatter [tilespmem:s10], [sflag:$0x8], $0x2000, $0x38;
	[tilespmem:$0x8D00] =	vst v63  }
0xbc: {  	_ =	swait.ge [sflag:s17], $0x2000  }
0xbd: {  	[sflag:s17] =	ssyncset.done $0x0  }
0xbe: {  	s21 =	simm.s32 $0x980;
	[sflag:s17] =	ssyncadd.s32 $0xFFFFE000  }
0xbf: {  	[tilespmem:s10], [sflag:$0x4] =	stream.indirect.gather [hbm4b:s3+s6], $0x40, s21, s6, $0xb8;
	[tilespmem:$0x8D00] =	vst v63  }
0xc0: {  	_ =	swait.ge [sflag:s11], $0x2000  }
0xc1: {  	[sflag:s11] =	ssyncset.done $0x0  }
0xc2: {  	s23 =	rddreg [dreg:$0x12];
	[sflag:s11] =	ssyncadd.s32 $0xFFFFE000  }
0xc3: {  	[hbm4b:s23+s2] =	stream.linear.scatter [tilespmem:s7], [sflag:$0x5], $0x2000, $0x38;
	[tilespmem:$0x8D00] =	vst v63  }
0xc4: {  	_ =	swait.ge [sflag:s12], $0x2000  }
0xc5: {  	[sflag:s12] =	ssyncset.done $0x0  }
0xc6: {  	s20 =	simm.s32 $0xA00;
	[sflag:s12] =	ssyncadd.s32 $0xFFFFE000  }
0xc7: {  	[tilespmem:s7], [sflag:$0x1] =	stream.indirect.gather [hbm4b:s3+s6], $0x40, s20, s6, $0xb8;
	[tilespmem:$0x8D00] =	vst v63  }
0xc8: {  	_ =	swait.ge [sflag:s13], $0x2000  }
0xc9: {  	[sflag:s13] =	ssyncset.done $0x0  }
0xca: {  	s21 =	rddreg [dreg:$0x13];
	[sflag:s13] =	ssyncadd.s32 $0xFFFFE000  }
0xcb: {  	[hbm4b:s21+s2] =	stream.linear.scatter [tilespmem:s8], [sflag:$0x6], $0x2000, $0x38;
	[tilespmem:$0x8D00] =	vst v63  }
0xcc: {  	_ =	swait.ge [sflag:s14], $0x2000  }
0xcd: {  	[sflag:s14] =	ssyncset.done $0x0  }
0xce: {  	s23 =	simm.s32 $0xA80;
	[sflag:s14] =	ssyncadd.s32 $0xFFFFE000  }
0xcf: {  	[tilespmem:s8], [sflag:$0x2] =	stream.indirect.gather [hbm4b:s3+s6], $0x40, s23, s6, $0xb8;
	[tilespmem:$0x8D00] =	vst v63  }
0xd0: {  	_ =	swait.ge [sflag:s15], $0x2000  }
0xd1: {  	[sflag:s15] =	ssyncset.done $0x0  }
0xd2: {  	s20 =	rddreg [dreg:$0x14];
	[sflag:s15] =	ssyncadd.s32 $0xFFFFE000  }
0xd3: {  	[hbm4b:s20+s2] =	stream.linear.scatter [tilespmem:s9], [sflag:$0x7], $0x2000, $0x38;
	[tilespmem:$0x8D00] =	vst v63  }
0xd4: {  	_ =	swait.ge [sflag:s5], $0x2000  }
0xd5: {  	[sflag:s5] =	ssyncset.done $0x0  }
0xd6: {  	s21 =	simm.s32 $0xB00;
	[sflag:s5] =	ssyncadd.s32 $0xFFFFE000  }
0xd7: {  	[tilespmem:s9], [sflag:$0x3] =	stream.indirect.gather [hbm4b:s3+s6], $0x40, s21, s6, $0xb8;
	[tilespmem:$0x8D00] =	vst v63  }
0xd8: {  	_ =	swait.ge [sflag:s16], $0x2000  }
0xd9: {  	[sflag:s16] =	ssyncset.done $0x0  }
0xda: {  	s23 =	rddreg [dreg:$0x15];
	[sflag:s16] =	ssyncadd.s32 $0xFFFFE000  }
0xdb: {  	[hbm4b:s23+s2] =	stream.linear.scatter [tilespmem:s10], [sflag:$0x8], $0x2000, $0x38;
	[tilespmem:$0x8D00] =	vst v63  }
0xdc: {  	_ =	swait.ge [sflag:s17], $0x2000  }
0xdd: {  	[sflag:s17] =	ssyncset.done $0x0  }
0xde: {  	s20 =	simm.s32 $0xB80;
	[sflag:s17] =	ssyncadd.s32 $0xFFFFE000  }
0xdf: {  	[tilespmem:s10], [sflag:$0x4] =	stream.indirect.gather [hbm4b:s3+s6], $0x40, s20, s6, $0xb8;
	[tilespmem:$0x8D00] =	vst v63  }
0xe0: {  	_ =	swait.ge [sflag:s11], $0x2000  }
0xe1: {  	[sflag:s11] =	ssyncset.done $0x0  }
0xe2: {  	[sflag:s11] =	ssyncadd.s32 $0xFFFFE000  }
0xe3: {  	[hbm4b:s25+s2] =	stream.linear.scatter [tilespmem:s7], [sflag:$0x5], $0x2000, $0x38;
	[tilespmem:$0x8D00] =	vst v63  }
0xe4: {  	_ =	swait.ge [sflag:s12], $0x2000  }
0xe5: {  	[sflag:s12] =	ssyncset.done $0x0  }
0xe6: {  	s21 =	simm.s32 $0xC00;
	[sflag:s12] =	ssyncadd.s32 $0xFFFFE000  }
0xe7: {  	[tilespmem:s7], [sflag:$0x1] =	stream.indirect.gather [hbm4b:s3+s6], $0x40, s21, s6, $0xb8;
	[tilespmem:$0x8D00] =	vst v63  }
0xe8: {  	_ =	swait.ge [sflag:s13], $0x2000  }
0xe9: {  	[sflag:s13] =	ssyncset.done $0x0  }
0xea: {  	[sflag:s13] =	ssyncadd.s32 $0xFFFFE000  }
0xeb: {  	[hbm4b:s26+s2] =	stream.linear.scatter [tilespmem:s8], [sflag:$0x6], $0x2000, $0x38;
	[tilespmem:$0x8D00] =	vst v63  }
0xec: {  	_ =	swait.ge [sflag:s14], $0x2000  }
0xed: {  	[sflag:s14] =	ssyncset.done $0x0  }
0xee: {  	s23 =	simm.s32 $0xC80;
	[sflag:s14] =	ssyncadd.s32 $0xFFFFE000  }
0xef: {  	[tilespmem:s8], [sflag:$0x2] =	stream.indirect.gather [hbm4b:s3+s6], $0x40, s23, s6, $0xb8;
	[tilespmem:$0x8D00] =	vst v63  }
0xf0: {  	_ =	swait.ge [sflag:s15], $0x2000  }
0xf1: {  	[sflag:s15] =	ssyncset.done $0x0  }
0xf2: {  	[sflag:s15] =	ssyncadd.s32 $0xFFFFE000  }
0xf3: {  	[hbm4b:s28+s2] =	stream.linear.scatter [tilespmem:s9], [sflag:$0x7], $0x2000, $0x38;
	[tilespmem:$0x8D00] =	vst v63  }
0xf4: {  	_ =	swait.ge [sflag:s16], $0x2000  }
0xf5: {  	[sflag:s16] =	ssyncset.done $0x0  }
0xf6: {  	[sflag:s16] =	ssyncadd.s32 $0xFFFFE000  }
0xf7: {  	[hbm4b:s29+s2] =	stream.linear.scatter [tilespmem:s10], [sflag:$0x8], $0x2000, $0x38;
	[tilespmem:$0x8D00] =	vst v63  }
0xf8: {  	_ =	swait.ge [sflag:s11], $0x2000  }
0xf9: {  	[sflag:s11] =	ssyncset.done $0x0  }
0xfa: {  	[sflag:s11] =	ssyncadd.s32 $0xFFFFE000  }
0xfb: {  	[hbm4b:s30+s2] =	stream.linear.scatter [tilespmem:s7], [sflag:$0x5], $0x2000, $0x38;
	[tilespmem:$0x8D00] =	vst v63  }
0xfc: {  	_ =	swait.ge [sflag:s13], $0x2000  }
0xfd: {  	[sflag:s13] =	ssyncset.done $0x0  }
0xfe: {  	[sflag:s13] =	ssyncadd.s32 $0xFFFFE000  }
0xff: {  	[hbm4b:s31+s2] =	stream.linear.scatter [tilespmem:s8], [sflag:$0x6], $0x2000, $0x38;
	[tilespmem:$0x8D00] =	vst v63  }
0x100: {  	_ =	swait.ge [sflag:s5], $0x2000  }
0x101: {  	[sflag:s5] =	ssyncset.done $0x0  }
0x102: {  	[sflag:s5] =	ssyncadd.s32 $0xFFFFE000  }
0x103: {  	_ =	swait.ge [sflag:s17], $0x2000  }
0x104: {  	[sflag:s17] =	ssyncset.done $0x0  }
0x105: {  	s18 =	sadd.s32 $0x1, s18;
	[sflag:s17] =	ssyncadd.s32 $0xFFFFE000  }
0x106: {  	p0 =	sne.s32 s18, s1;
	_ =	swait.ge [sflag:s12], $0x2000  }
.Ltmp1:
0x107: {  	[sflag:s12] =	ssyncset.done $0x0;
	(pc) =	sbr.rel @p0 .LBB2_1-.Ltmp1, $4  }
0x108: {  	[sflag:s12] =	ssyncadd.s32 $0xFFFFE000  }
0x109: {  	_ =	swait.ge [sflag:s14], $0x2000  }
0x10a: {  	[sflag:s14] =	ssyncset.done $0x0  }
0x10b: {  	[sflag:s14] =	ssyncadd.s32 $0xFFFFE000  }
0x10c: {  	_ =	sfence.sel $0x180000  }
0x10d: {  	[bflag:$0x0] =	sbarrier.arrive $0xFFFF  }
0x10e: {  	_ =	strace $0x90000047  }
0x10f: {  	s0 =	stileid.u32;
	[bflag:$0x2] =	sbarrier.arrive $0xFFFF  }
0x110: {  	p0 =	sne.s32 s0, $0x0;
	s0 =	rddreg [dreg:$0x2]  }
0x111: {  	s0 =	sadd.s32 @!p0 $0x100000, s0  }
0x112: {  	[sflag:s0] =	ssyncadd.tile.s32 @!p0 $0x1;
	_ =	shalt  }
.Lfunc_end2:
_tile_overlayer_lowered:
.L_overlay_start_2:
0x113: {  	(tag) =	ssettag $0x2  }
0x114: {  	s0 =	rddreg [dreg:$0x0];
	s2 =	stileid.u32  }
0x115: {  	s1 =	rddreg [dreg:$0x1];
	p0 =	sne.s32 s2, $0x0  }
0x116: {  	s3 =	rddreg [dreg:$0x2];
	[bflag:$0x3] =	sbarrier.arrive $0xFFFF;
	s2 =	simm.s32 @!p0 $0x1C09  }
0x117: {  	[timem:s3], [sflag:s2] =	dma.local @!p0 [hbm:s0], s1  }
0x118: {  	s0 =	simm.s32 @!p0 $0x9  }
0x119: {  	_ =	swait.ge @!p0 [sflag:s0], s1  }
0x11a: {  	s1 =	ssub.s32 @!p0 $0x0, s1;
	[sflag:s0] =	ssyncset.done @!p0 $0x0  }
0x11b: {  	[sflag:s0] =	ssyncadd.s32 @!p0 s1  }
0x11c: {  	[bflag:$0x3] =	sbarrier.arrive $0xFFFF  }
0x11d: {  	_ =	shalt  }

</sc_bundles>
